<compile_context>
chip_gen: v7x
topology: tpu7x:2x2x1
jax: 0.10.2.dev20260603
libtpu: 0.0.44.dev20260713+nightly
codegen_flags: <defaults>
</compile_context>

<pallas_src>
import functools

import jax
import jax.numpy as jnp
from jax import lax
from jax.experimental import pallas as pl
from jax.experimental.pallas import tpu as pltpu
from jax.experimental.pallas import tpu_sc as plsc

D_MODEL = 128
CHUNK = 128


@functools.lru_cache(maxsize=None)
def _build(n_rows: int):
    info = plsc.get_sparse_core_info()
    nw = info.num_cores * info.num_subcores
    rows_per_w = n_rows // nw
    n_chunks = rows_per_w // CHUNK
    assert rows_per_w * nw == n_rows and n_chunks * CHUNK == rows_per_w

    mesh = plsc.VectorSubcoreMesh(core_axis_name="c", subcore_axis_name="s")

    @functools.partial(
        pl.kernel,
        mesh=mesh,
        out_type=jax.ShapeDtypeStruct((n_rows, D_MODEL), jnp.float32),
        scratch_types=[
            pltpu.VMEM((n_chunks, CHUNK), jnp.int32),
            pltpu.VMEM((5, CHUNK, D_MODEL), jnp.float32),
            pltpu.VMEM_SHARED((500, D_MODEL), jnp.float32),
            pltpu.SemaphoreType.DMA,
            pltpu.SemaphoreType.DMA,
            pltpu.SemaphoreType.DMA,
            pltpu.SemaphoreType.DMA,
            pltpu.SemaphoreType.DMA,
            pltpu.SemaphoreType.DMA,
            pltpu.SemaphoreType.DMA,
            pltpu.SemaphoreType.DMA,
            pltpu.SemaphoreType.DMA,
            pltpu.SemaphoreType.DMA,
        ],
    )
    def gather_kernel(
        idx_hbm, table_hbm, out_hbm, idx_v, rows_v, table_sh,
        g0, g1, g2, g3, g4, s0, s1, s2, s3, s4,
    ):
        sid = lax.axis_index("s")
        wid = sid * info.num_cores + lax.axis_index("c")
        base = wid * rows_per_w

        @pl.when(sid == 0)
        def _():
            pltpu.sync_copy(table_hbm, table_sh)

        pltpu.sync_copy(idx_hbm.at[wid], idx_v)
        plsc.subcore_barrier()

        NBUF = 5
        AHEAD = 4
        gsem = (g0, g1, g2, g3, g4)
        ssem = (s0, s1, s2, s3, s4)

        def start_gather(j, b):
            pltpu.async_copy(table_sh.at[idx_v.at[j]], rows_v.at[b], gsem[b])

        def wait_gather(b):
            pltpu.make_async_copy(
                table_sh.at[idx_v.at[0]], rows_v.at[b], gsem[b]
            ).wait()

        def wait_store(b):
            pltpu.make_async_copy(
                rows_v.at[b], out_hbm.at[pl.ds(base, CHUNK)], ssem[b]
            ).wait()

        for j0 in range(AHEAD):
            start_gather(j0, j0)

        def body(gi, carry):
            for b in range(NBUF):
                j = NBUF * gi + b
                bn = (b + AHEAD) % NBUF
                wait_gather(b)
                pltpu.async_copy(
                    rows_v.at[b], out_hbm.at[pl.ds(base + j * CHUNK, CHUNK)], ssem[b]
                )

                @pl.when(j + AHEAD < n_chunks)
                def _():
                    @pl.when(j >= NBUF - AHEAD)
                    def _():
                        wait_store(bn)

                    start_gather(j + AHEAD, bn)

            return carry

        lax.fori_loop(0, n_chunks // NBUF, body, 0)
        for k in range(NBUF):
            wait_store((n_chunks - NBUF + k) % NBUF)

    def run(seq_indices, pe):
        idx = seq_indices.reshape(nw, n_chunks, CHUNK)
        table = pe[0]
        return gather_kernel(idx, table)

    return run


def kernel(seq_indices, pe):
    b, s = seq_indices.shape
    out = _build(b * s)(seq_indices, pe)
    return out.reshape(b, s, D_MODEL)

# --- scband reference (transcript-rebuilt; emitter-appended) ---
"""Pipeline reference for scband-temporal-positional-encoding-12635793784969 (READ-ONLY COPY).

The authoritative reference and input builder live on the scoring server;
editing this copy changes nothing except your own understanding.
"""

import jax, jax.numpy as jnp
import numpy as np
import math

D_MODEL = 128
MAX_LEN = 500
BATCH = 4096
SEQ_LEN = 200


def make_pe(d_model=D_MODEL, max_len=MAX_LEN):
    position = np.arange(0, max_len).astype(np.float32)[:, None]
    div_term = np.exp(np.arange(0, d_model, 2).astype(np.float32) * -(math.log(10000.0) / d_model))
    pe = np.zeros((1, max_len, d_model), dtype=np.float32)
    pe[0, :, 0::2] = np.sin(position * div_term)
    pe[0, :, 1::2] = np.cos(position * div_term)
    return jnp.asarray(pe)


def setup_inputs(seed: int = 0) -> dict:
    key = jax.random.key(seed)
    seq_indices = jax.random.randint(key, (BATCH, SEQ_LEN), 0, MAX_LEN, dtype=jnp.int32)
    pe = make_pe()
    return {"seq_indices": seq_indices, "pe": pe}


def reference(seq_indices, pe):
    batch_size, seq_len = seq_indices.shape
    flat_idx = seq_indices.reshape(-1)
    pe_embeddings = jnp.take(pe[0], flat_idx, axis=0).reshape(batch_size, seq_len, -1)
    return pe_embeddings

if __name__ == "__main__":
    import jax
    _d = setup_inputs()
    print(jax.jit(kernel)(*tuple(_d.values())))

</pallas_src>

<mosaic_0001>
#map = affine_map<(d0, d1) -> (0, 0, 0)>
#map1 = affine_map<(d0, d1) -> (0, 0)>
module attributes {stable_mosaic.version = 14 : i64} {
  func.func @gather_kernel(%arg0: i32, %arg1: i32, %arg2: memref<32x200x128xi32, #tpu.memory_space<hbm>>, %arg3: memref<500x128xf32, #tpu.memory_space<hbm>>, %arg4: memref<819200x128xf32, #tpu.memory_space<hbm>>, %arg5: memref<200x128xi32, #tpu.memory_space<vmem>>, %arg6: memref<5x128x128xf32, #tpu.memory_space<vmem>>, %arg7: memref<500x128xf32, #tpu.memory_space<vmem_shared>>, %arg8: memref<!tpu.dma_semaphore, #tpu.memory_space<semaphore_mem>>, %arg9: memref<!tpu.dma_semaphore, #tpu.memory_space<semaphore_mem>>, %arg10: memref<!tpu.dma_semaphore, #tpu.memory_space<semaphore_mem>>, %arg11: memref<!tpu.dma_semaphore, #tpu.memory_space<semaphore_mem>>, %arg12: memref<!tpu.dma_semaphore, #tpu.memory_space<semaphore_mem>>, %arg13: memref<!tpu.dma_semaphore, #tpu.memory_space<semaphore_mem>>, %arg14: memref<!tpu.dma_semaphore, #tpu.memory_space<semaphore_mem>>, %arg15: memref<!tpu.dma_semaphore, #tpu.memory_space<semaphore_mem>>, %arg16: memref<!tpu.dma_semaphore, #tpu.memory_space<semaphore_mem>>, %arg17: memref<!tpu.dma_semaphore, #tpu.memory_space<semaphore_mem>>) attributes {dimension_semantics = [#tpu.dimension_semantics<core_parallel>, #tpu.dimension_semantics<subcore_parallel>], iteration_bounds = array<i64: 2, 16>, scalar_prefetch = 0 : i64, scratch_operands = 13 : i64, tpu.core_type = #tpu.core_type<sc_vector_subcore>, window_params = [{transform_indices = #map}, {transform_indices = #map1}, {transform_indices = #map1}]} {
    %mul3A = arith.constant 2 : i32
    %mul3A_0 = arith.muli %arg1, %mul3A : i32
    %add3A = arith.addi %mul3A_0, %arg0 : i32
    %mul3A_1 = arith.constant 25600 : i32
    %mul3A_2 = arith.muli %add3A, %mul3A_1 : i32
    %eq3A = arith.constant 0 : i32
    %eq3A_3 = arith.cmpi eq, %arg1, %eq3A : i32
    %convert_element_type3A = arith.extui %eq3A_3 : i1 to i32
    %cond3A = arith.constant 0 : i32
    %cond3A_4 = arith.cmpi ne, %convert_element_type3A, %cond3A : i32
    scf.if %cond3A_4 {
      "tpu.region"() ({
        %run_scoped3A = tpu.sem_alloc : memref<!tpu.dma_semaphore, #tpu.memory_space<semaphore_mem>>
        tpu.enqueue_dma source(%arg3 : memref<500x128xf32, #tpu.memory_space<hbm>>) target(%arg7 : memref<500x128xf32, #tpu.memory_space<vmem_shared>>) target_semaphore(%run_scoped3A : memref<!tpu.dma_semaphore, #tpu.memory_space<semaphore_mem>>)
        tpu.wait_dma2 semaphore(%run_scoped3A : memref<!tpu.dma_semaphore, #tpu.memory_space<semaphore_mem>>) src(%arg3 : memref<500x128xf32, #tpu.memory_space<hbm>>) dst(%arg7 : memref<500x128xf32, #tpu.memory_space<vmem_shared>>)
        tpu.yield
      }) : () -> ()
    } else {
    }
    "tpu.region"() ({
      %run_scoped3A = tpu.sem_alloc : memref<!tpu.dma_semaphore, #tpu.memory_space<semaphore_mem>>
      %dma_start3A_121 = arith.constant 0 : i32
      %dma_start3A_122 = arith.constant 0 : i32
      %dma_start3A_123 = tpu.memref_slice %arg2[%add3A, %dma_start3A_121, %dma_start3A_122] : memref<32x200x128xi32, #tpu.memory_space<hbm>> -> memref<1x200x128xi32, #tpu.memory_space<hbm>>
      %dma_start3A_124 = tpu.memref_squeeze %dma_start3A_123 : memref<1x200x128xi32, #tpu.memory_space<hbm>> -> memref<200x128xi32, #tpu.memory_space<hbm>>
      %dma_start3A_125 = arith.constant 0 : i32
      %dma_start3A_126 = arith.constant 0 : i32
      %dma_start3A_127 = tpu.memref_slice %arg2[%add3A, %dma_start3A_125, %dma_start3A_126] : memref<32x200x128xi32, #tpu.memory_space<hbm>> -> memref<1x200x128xi32, #tpu.memory_space<hbm>>
      %dma_start3A_128 = tpu.memref_squeeze %dma_start3A_127 : memref<1x200x128xi32, #tpu.memory_space<hbm>> -> memref<200x128xi32, #tpu.memory_space<hbm>>
      tpu.enqueue_dma source(%dma_start3A_128 : memref<200x128xi32, #tpu.memory_space<hbm>>) target(%arg5 : memref<200x128xi32, #tpu.memory_space<vmem>>) target_semaphore(%run_scoped3A : memref<!tpu.dma_semaphore, #tpu.memory_space<semaphore_mem>>)
      %dma_wait3A_129 = arith.constant 0 : i32
      %dma_wait3A_130 = arith.constant 0 : i32
      %dma_wait3A_131 = tpu.memref_slice %arg2[%add3A, %dma_wait3A_129, %dma_wait3A_130] : memref<32x200x128xi32, #tpu.memory_space<hbm>> -> memref<1x200x128xi32, #tpu.memory_space<hbm>>
      %dma_wait3A_132 = tpu.memref_squeeze %dma_wait3A_131 : memref<1x200x128xi32, #tpu.memory_space<hbm>> -> memref<200x128xi32, #tpu.memory_space<hbm>>
      %dma_wait3A_133 = arith.constant 0 : i32
      %dma_wait3A_134 = arith.constant 0 : i32
      %dma_wait3A_135 = tpu.memref_slice %arg2[%add3A, %dma_wait3A_133, %dma_wait3A_134] : memref<32x200x128xi32, #tpu.memory_space<hbm>> -> memref<1x200x128xi32, #tpu.memory_space<hbm>>
      %dma_wait3A_136 = tpu.memref_squeeze %dma_wait3A_135 : memref<1x200x128xi32, #tpu.memory_space<hbm>> -> memref<200x128xi32, #tpu.memory_space<hbm>>
      tpu.wait_dma2 semaphore(%run_scoped3A : memref<!tpu.dma_semaphore, #tpu.memory_space<semaphore_mem>>) src(%dma_wait3A_136 : memref<200x128xi32, #tpu.memory_space<hbm>>) dst(%arg5 : memref<200x128xi32, #tpu.memory_space<vmem>>)
      tpu.yield
    }) : () -> ()
    %barrier3A = arith.constant 0 : index
    tpu.barrier barrier_id(%barrier3A)
    %dma_start3A = arith.constant 0 : i32
    %dma_start3A_5 = arith.constant 0 : i32
    %dma_start3A_6 = arith.constant 0 : i32
    %dma_start3A_7 = arith.constant 0 : i32
    %dma_start3A_8 = tpu.memref_slice %arg6[%dma_start3A_5, %dma_start3A_6, %dma_start3A_7] : memref<5x128x128xf32, #tpu.memory_space<vmem>> -> memref<1x128x128xf32, #tpu.memory_space<vmem>>
    %dma_start3A_9 = tpu.memref_squeeze %dma_start3A_8 : memref<1x128x128xf32, #tpu.memory_space<vmem>> -> memref<128x128xf32, #tpu.memory_space<vmem>>
    %dma_start3A_10 = arith.constant 0 : i32
    %dma_start3A_11 = tpu.memref_slice %arg5[%dma_start3A, %dma_start3A_10] : memref<200x128xi32, #tpu.memory_space<vmem>> -> memref<1x128xi32, #tpu.memory_space<vmem>>
    %dma_start3A_12 = tpu.memref_squeeze %dma_start3A_11 : memref<1x128xi32, #tpu.memory_space<vmem>> -> memref<128xi32, #tpu.memory_space<vmem>>
    %dma_start3A_13 = arith.constant 0 : i32
    %dma_start3A_14 = arith.constant 0 : i32
    %dma_start3A_15 = tpu.memref_slice %arg7[%dma_start3A_13, %dma_start3A_14] : memref<500x128xf32, #tpu.memory_space<vmem_shared>> -> memref<500x128xf32, #tpu.memory_space<vmem_shared>>
    tpu.enqueue_indirect_dma source(%dma_start3A_15 : memref<500x128xf32, #tpu.memory_space<vmem_shared>>) target(%dma_start3A_9 : memref<128x128xf32, #tpu.memory_space<vmem>>) offsets(%dma_start3A_12 : memref<128xi32, #tpu.memory_space<vmem>>) semaphore(%arg8 : memref<!tpu.dma_semaphore, #tpu.memory_space<semaphore_mem>>)
    %dma_start3A_16 = arith.constant 1 : i32
    %dma_start3A_17 = arith.constant 1 : i32
    %dma_start3A_18 = arith.constant 0 : i32
    %dma_start3A_19 = arith.constant 0 : i32
    %dma_start3A_20 = tpu.memref_slice %arg6[%dma_start3A_17, %dma_start3A_18, %dma_start3A_19] : memref<5x128x128xf32, #tpu.memory_space<vmem>> -> memref<1x128x128xf32, #tpu.memory_space<vmem>>
    %dma_start3A_21 = tpu.memref_squeeze %dma_start3A_20 : memref<1x128x128xf32, #tpu.memory_space<vmem>> -> memref<128x128xf32, #tpu.memory_space<vmem>>
    %dma_start3A_22 = arith.constant 0 : i32
    %dma_start3A_23 = tpu.memref_slice %arg5[%dma_start3A_16, %dma_start3A_22] : memref<200x128xi32, #tpu.memory_space<vmem>> -> memref<1x128xi32, #tpu.memory_space<vmem>>
    %dma_start3A_24 = tpu.memref_squeeze %dma_start3A_23 : memref<1x128xi32, #tpu.memory_space<vmem>> -> memref<128xi32, #tpu.memory_space<vmem>>
    %dma_start3A_25 = arith.constant 0 : i32
    %dma_start3A_26 = arith.constant 0 : i32
    %dma_start3A_27 = tpu.memref_slice %arg7[%dma_start3A_25, %dma_start3A_26] : memref<500x128xf32, #tpu.memory_space<vmem_shared>> -> memref<500x128xf32, #tpu.memory_space<vmem_shared>>
    tpu.enqueue_indirect_dma source(%dma_start3A_27 : memref<500x128xf32, #tpu.memory_space<vmem_shared>>) target(%dma_start3A_21 : memref<128x128xf32, #tpu.memory_space<vmem>>) offsets(%dma_start3A_24 : memref<128xi32, #tpu.memory_space<vmem>>) semaphore(%arg9 : memref<!tpu.dma_semaphore, #tpu.memory_space<semaphore_mem>>)
    %dma_start3A_28 = arith.constant 2 : i32
    %dma_start3A_29 = arith.constant 2 : i32
    %dma_start3A_30 = arith.constant 0 : i32
    %dma_start3A_31 = arith.constant 0 : i32
    %dma_start3A_32 = tpu.memref_slice %arg6[%dma_start3A_29, %dma_start3A_30, %dma_start3A_31] : memref<5x128x128xf32, #tpu.memory_space<vmem>> -> memref<1x128x128xf32, #tpu.memory_space<vmem>>
    %dma_start3A_33 = tpu.memref_squeeze %dma_start3A_32 : memref<1x128x128xf32, #tpu.memory_space<vmem>> -> memref<128x128xf32, #tpu.memory_space<vmem>>
    %dma_start3A_34 = arith.constant 0 : i32
    %dma_start3A_35 = tpu.memref_slice %arg5[%dma_start3A_28, %dma_start3A_34] : memref<200x128xi32, #tpu.memory_space<vmem>> -> memref<1x128xi32, #tpu.memory_space<vmem>>
    %dma_start3A_36 = tpu.memref_squeeze %dma_start3A_35 : memref<1x128xi32, #tpu.memory_space<vmem>> -> memref<128xi32, #tpu.memory_space<vmem>>
    %dma_start3A_37 = arith.constant 0 : i32
    %dma_start3A_38 = arith.constant 0 : i32
    %dma_start3A_39 = tpu.memref_slice %arg7[%dma_start3A_37, %dma_start3A_38] : memref<500x128xf32, #tpu.memory_space<vmem_shared>> -> memref<500x128xf32, #tpu.memory_space<vmem_shared>>
    tpu.enqueue_indirect_dma source(%dma_start3A_39 : memref<500x128xf32, #tpu.memory_space<vmem_shared>>) target(%dma_start3A_33 : memref<128x128xf32, #tpu.memory_space<vmem>>) offsets(%dma_start3A_36 : memref<128xi32, #tpu.memory_space<vmem>>) semaphore(%arg10 : memref<!tpu.dma_semaphore, #tpu.memory_space<semaphore_mem>>)
    %dma_start3A_40 = arith.constant 3 : i32
    %dma_start3A_41 = arith.constant 3 : i32
    %dma_start3A_42 = arith.constant 0 : i32
    %dma_start3A_43 = arith.constant 0 : i32
    %dma_start3A_44 = tpu.memref_slice %arg6[%dma_start3A_41, %dma_start3A_42, %dma_start3A_43] : memref<5x128x128xf32, #tpu.memory_space<vmem>> -> memref<1x128x128xf32, #tpu.memory_space<vmem>>
    %dma_start3A_45 = tpu.memref_squeeze %dma_start3A_44 : memref<1x128x128xf32, #tpu.memory_space<vmem>> -> memref<128x128xf32, #tpu.memory_space<vmem>>
    %dma_start3A_46 = arith.constant 0 : i32
    %dma_start3A_47 = tpu.memref_slice %arg5[%dma_start3A_40, %dma_start3A_46] : memref<200x128xi32, #tpu.memory_space<vmem>> -> memref<1x128xi32, #tpu.memory_space<vmem>>
    %dma_start3A_48 = tpu.memref_squeeze %dma_start3A_47 : memref<1x128xi32, #tpu.memory_space<vmem>> -> memref<128xi32, #tpu.memory_space<vmem>>
    %dma_start3A_49 = arith.constant 0 : i32
    %dma_start3A_50 = arith.constant 0 : i32
    %dma_start3A_51 = tpu.memref_slice %arg7[%dma_start3A_49, %dma_start3A_50] : memref<500x128xf32, #tpu.memory_space<vmem_shared>> -> memref<500x128xf32, #tpu.memory_space<vmem_shared>>
    tpu.enqueue_indirect_dma source(%dma_start3A_51 : memref<500x128xf32, #tpu.memory_space<vmem_shared>>) target(%dma_start3A_45 : memref<128x128xf32, #tpu.memory_space<vmem>>) offsets(%dma_start3A_48 : memref<128xi32, #tpu.memory_space<vmem>>) semaphore(%arg11 : memref<!tpu.dma_semaphore, #tpu.memory_space<semaphore_mem>>)
    %scan3A = arith.constant 0 : i32
    %scan3A_52 = arith.constant 0 : i32
    %scan3A_53 = arith.constant 40 : i32
    %scan3A_54 = arith.addi %scan3A_52, %scan3A_53 : i32
    %scan3A_55 = arith.constant 1 : i32
    scf.for %scan3A_121 = %scan3A_52 to %scan3A_54 step %scan3A_55  : i32 {
      %mul3A_122 = arith.constant 5 : i32
      %mul3A_123 = arith.muli %mul3A_122, %scan3A_121 : i32
      %add3A_124 = arith.constant 0 : i32
      %add3A_125 = arith.addi %mul3A_123, %add3A_124 : i32
      %dma_wait3A_126 = arith.constant 0 : i32
      %dma_wait3A_127 = arith.constant 0 : i32
      %dma_wait3A_128 = arith.constant 0 : i32
      %dma_wait3A_129 = arith.constant 0 : i32
      %dma_wait3A_130 = tpu.memref_slice %arg6[%dma_wait3A_127, %dma_wait3A_128, %dma_wait3A_129] : memref<5x128x128xf32, #tpu.memory_space<vmem>> -> memref<1x128x128xf32, #tpu.memory_space<vmem>>
      %dma_wait3A_131 = tpu.memref_squeeze %dma_wait3A_130 : memref<1x128x128xf32, #tpu.memory_space<vmem>> -> memref<128x128xf32, #tpu.memory_space<vmem>>
      %dma_wait3A_132 = arith.constant 0 : i32
      %dma_wait3A_133 = tpu.memref_slice %arg5[%dma_wait3A_126, %dma_wait3A_132] : memref<200x128xi32, #tpu.memory_space<vmem>> -> memref<1x128xi32, #tpu.memory_space<vmem>>
      %dma_wait3A_134 = tpu.memref_squeeze %dma_wait3A_133 : memref<1x128xi32, #tpu.memory_space<vmem>> -> memref<128xi32, #tpu.memory_space<vmem>>
      %dma_wait3A_135 = arith.constant 0 : i32
      %dma_wait3A_136 = arith.constant 0 : i32
      %dma_wait3A_137 = tpu.memref_slice %arg7[%dma_wait3A_135, %dma_wait3A_136] : memref<500x128xf32, #tpu.memory_space<vmem_shared>> -> memref<500x128xf32, #tpu.memory_space<vmem_shared>>
      tpu.wait_indirect_dma semaphore(%arg8 : memref<!tpu.dma_semaphore, #tpu.memory_space<semaphore_mem>>) src(%dma_wait3A_137 : memref<500x128xf32, #tpu.memory_space<vmem_shared>>) dst(%dma_wait3A_131 : memref<128x128xf32, #tpu.memory_space<vmem>>)
      %mul3A_138 = arith.constant 128 : i32
      %mul3A_139 = arith.muli %add3A_125, %mul3A_138 : i32
      %add3A_140 = arith.addi %mul3A_2, %mul3A_139 : i32
      %dma_start3A_141 = arith.constant 0 : i32
      %dma_start3A_142 = arith.constant 0 : i32
      %dma_start3A_143 = arith.constant 0 : i32
      %dma_start3A_144 = tpu.memref_slice %arg6[%dma_start3A_141, %dma_start3A_142, %dma_start3A_143] : memref<5x128x128xf32, #tpu.memory_space<vmem>> -> memref<1x128x128xf32, #tpu.memory_space<vmem>>
      %dma_start3A_145 = tpu.memref_squeeze %dma_start3A_144 : memref<1x128x128xf32, #tpu.memory_space<vmem>> -> memref<128x128xf32, #tpu.memory_space<vmem>>
      %dma_start3A_146 = arith.constant 0 : i32
      %dma_start3A_147 = tpu.memref_slice %arg4[%add3A_140, %dma_start3A_146] : memref<819200x128xf32, #tpu.memory_space<hbm>> -> memref<128x128xf32, #tpu.memory_space<hbm>>
      %dma_start3A_148 = arith.constant 0 : i32
      %dma_start3A_149 = tpu.memref_slice %arg4[%add3A_140, %dma_start3A_148] : memref<819200x128xf32, #tpu.memory_space<hbm>> -> memref<128x128xf32, #tpu.memory_space<hbm>>
      %dma_start3A_150 = arith.constant 0 : i32
      %dma_start3A_151 = arith.constant 0 : i32
      %dma_start3A_152 = tpu.memref_slice %arg6[%dma_start3A_141, %dma_start3A_150, %dma_start3A_151] : memref<5x128x128xf32, #tpu.memory_space<vmem>> -> memref<1x128x128xf32, #tpu.memory_space<vmem>>
      %dma_start3A_153 = tpu.memref_squeeze %dma_start3A_152 : memref<1x128x128xf32, #tpu.memory_space<vmem>> -> memref<128x128xf32, #tpu.memory_space<vmem>>
      tpu.enqueue_dma source(%dma_start3A_153 : memref<128x128xf32, #tpu.memory_space<vmem>>) target(%dma_start3A_149 : memref<128x128xf32, #tpu.memory_space<hbm>>) target_semaphore(%arg13 : memref<!tpu.dma_semaphore, #tpu.memory_space<semaphore_mem>>)
      %add3A_154 = arith.constant 4 : i32
      %add3A_155 = arith.addi %add3A_125, %add3A_154 : i32
      %lt3A = arith.constant 200 : i32
      %lt3A_156 = arith.cmpi slt, %add3A_155, %lt3A : i32
      %convert_element_type3A_157 = arith.extui %lt3A_156 : i1 to i32
      %cond3A_158 = arith.constant 0 : i32
      %cond3A_159 = arith.cmpi ne, %convert_element_type3A_157, %cond3A_158 : i32
      scf.if %cond3A_159 {
        %ge3A = arith.constant 1 : i32
        %ge3A_316 = arith.cmpi sge, %add3A_125, %ge3A : i32
        %convert_element_type3A_317 = arith.extui %ge3A_316 : i1 to i32
        %cond3A_318 = arith.constant 0 : i32
        %cond3A_319 = arith.cmpi ne, %convert_element_type3A_317, %cond3A_318 : i32
        scf.if %cond3A_319 {
          %dma_wait3A_333 = arith.constant 4 : i32
          %dma_wait3A_334 = arith.constant 0 : i32
          %dma_wait3A_335 = arith.constant 0 : i32
          %dma_wait3A_336 = tpu.memref_slice %arg6[%dma_wait3A_333, %dma_wait3A_334, %dma_wait3A_335] : memref<5x128x128xf32, #tpu.memory_space<vmem>> -> memref<1x128x128xf32, #tpu.memory_space<vmem>>
          %dma_wait3A_337 = tpu.memref_squeeze %dma_wait3A_336 : memref<1x128x128xf32, #tpu.memory_space<vmem>> -> memref<128x128xf32, #tpu.memory_space<vmem>>
          %dma_wait3A_338 = arith.constant 0 : i32
          %dma_wait3A_339 = tpu.memref_slice %arg4[%mul3A_2, %dma_wait3A_338] : memref<819200x128xf32, #tpu.memory_space<hbm>> -> memref<128x128xf32, #tpu.memory_space<hbm>>
          %dma_wait3A_340 = arith.constant 0 : i32
          %dma_wait3A_341 = tpu.memref_slice %arg4[%mul3A_2, %dma_wait3A_340] : memref<819200x128xf32, #tpu.memory_space<hbm>> -> memref<128x128xf32, #tpu.memory_space<hbm>>
          %dma_wait3A_342 = arith.constant 0 : i32
          %dma_wait3A_343 = arith.constant 0 : i32
          %dma_wait3A_344 = tpu.memref_slice %arg6[%dma_wait3A_333, %dma_wait3A_342, %dma_wait3A_343] : memref<5x128x128xf32, #tpu.memory_space<vmem>> -> memref<1x128x128xf32, #tpu.memory_space<vmem>>
          %dma_wait3A_345 = tpu.memref_squeeze %dma_wait3A_344 : memref<1x128x128xf32, #tpu.memory_space<vmem>> -> memref<128x128xf32, #tpu.memory_space<vmem>>
          tpu.wait_dma2 semaphore(%arg17 : memref<!tpu.dma_semaphore, #tpu.memory_space<semaphore_mem>>) src(%dma_wait3A_345 : memref<128x128xf32, #tpu.memory_space<vmem>>) dst(%dma_wait3A_341 : memref<128x128xf32, #tpu.memory_space<hbm>>)
        } else {
        }
        %add3A_320 = arith.constant 4 : i32
        %add3A_321 = arith.addi %add3A_125, %add3A_320 : i32
        %dma_start3A_322 = arith.constant 4 : i32
        %dma_start3A_323 = arith.constant 0 : i32
        %dma_start3A_324 = arith.constant 0 : i32
        %dma_start3A_325 = tpu.memref_slice %arg6[%dma_start3A_322, %dma_start3A_323, %dma_start3A_324] : memref<5x128x128xf32, #tpu.memory_space<vmem>> -> memref<1x128x128xf32, #tpu.memory_space<vmem>>
        %dma_start3A_326 = tpu.memref_squeeze %dma_start3A_325 : memref<1x128x128xf32, #tpu.memory_space<vmem>> -> memref<128x128xf32, #tpu.memory_space<vmem>>
        %dma_start3A_327 = arith.constant 0 : i32
        %dma_start3A_328 = tpu.memref_slice %arg5[%add3A_321, %dma_start3A_327] : memref<200x128xi32, #tpu.memory_space<vmem>> -> memref<1x128xi32, #tpu.memory_space<vmem>>
        %dma_start3A_329 = tpu.memref_squeeze %dma_start3A_328 : memref<1x128xi32, #tpu.memory_space<vmem>> -> memref<128xi32, #tpu.memory_space<vmem>>
        %dma_start3A_330 = arith.constant 0 : i32
        %dma_start3A_331 = arith.constant 0 : i32
        %dma_start3A_332 = tpu.memref_slice %arg7[%dma_start3A_330, %dma_start3A_331] : memref<500x128xf32, #tpu.memory_space<vmem_shared>> -> memref<500x128xf32, #tpu.memory_space<vmem_shared>>
        tpu.enqueue_indirect_dma source(%dma_start3A_332 : memref<500x128xf32, #tpu.memory_space<vmem_shared>>) target(%dma_start3A_326 : memref<128x128xf32, #tpu.memory_space<vmem>>) offsets(%dma_start3A_329 : memref<128xi32, #tpu.memory_space<vmem>>) semaphore(%arg12 : memref<!tpu.dma_semaphore, #tpu.memory_space<semaphore_mem>>)
      } else {
      }
      %mul3A_160 = arith.constant 5 : i32
      %mul3A_161 = arith.muli %mul3A_160, %scan3A_121 : i32
      %add3A_162 = arith.constant 1 : i32
      %add3A_163 = arith.addi %mul3A_161, %add3A_162 : i32
      %dma_wait3A_164 = arith.constant 0 : i32
      %dma_wait3A_165 = arith.constant 1 : i32
      %dma_wait3A_166 = arith.constant 0 : i32
      %dma_wait3A_167 = arith.constant 0 : i32
      %dma_wait3A_168 = tpu.memref_slice %arg6[%dma_wait3A_165, %dma_wait3A_166, %dma_wait3A_167] : memref<5x128x128xf32, #tpu.memory_space<vmem>> -> memref<1x128x128xf32, #tpu.memory_space<vmem>>
      %dma_wait3A_169 = tpu.memref_squeeze %dma_wait3A_168 : memref<1x128x128xf32, #tpu.memory_space<vmem>> -> memref<128x128xf32, #tpu.memory_space<vmem>>
      %dma_wait3A_170 = arith.constant 0 : i32
      %dma_wait3A_171 = tpu.memref_slice %arg5[%dma_wait3A_164, %dma_wait3A_170] : memref<200x128xi32, #tpu.memory_space<vmem>> -> memref<1x128xi32, #tpu.memory_space<vmem>>
      %dma_wait3A_172 = tpu.memref_squeeze %dma_wait3A_171 : memref<1x128xi32, #tpu.memory_space<vmem>> -> memref<128xi32, #tpu.memory_space<vmem>>
      %dma_wait3A_173 = arith.constant 0 : i32
      %dma_wait3A_174 = arith.constant 0 : i32
      %dma_wait3A_175 = tpu.memref_slice %arg7[%dma_wait3A_173, %dma_wait3A_174] : memref<500x128xf32, #tpu.memory_space<vmem_shared>> -> memref<500x128xf32, #tpu.memory_space<vmem_shared>>
      tpu.wait_indirect_dma semaphore(%arg9 : memref<!tpu.dma_semaphore, #tpu.memory_space<semaphore_mem>>) src(%dma_wait3A_175 : memref<500x128xf32, #tpu.memory_space<vmem_shared>>) dst(%dma_wait3A_169 : memref<128x128xf32, #tpu.memory_space<vmem>>)
      %mul3A_176 = arith.constant 128 : i32
      %mul3A_177 = arith.muli %add3A_163, %mul3A_176 : i32
      %add3A_178 = arith.addi %mul3A_2, %mul3A_177 : i32
      %dma_start3A_179 = arith.constant 1 : i32
      %dma_start3A_180 = arith.constant 0 : i32
      %dma_start3A_181 = arith.constant 0 : i32
      %dma_start3A_182 = tpu.memref_slice %arg6[%dma_start3A_179, %dma_start3A_180, %dma_start3A_181] : memref<5x128x128xf32, #tpu.memory_space<vmem>> -> memref<1x128x128xf32, #tpu.memory_space<vmem>>
      %dma_start3A_183 = tpu.memref_squeeze %dma_start3A_182 : memref<1x128x128xf32, #tpu.memory_space<vmem>> -> memref<128x128xf32, #tpu.memory_space<vmem>>
      %dma_start3A_184 = arith.constant 0 : i32
      %dma_start3A_185 = tpu.memref_slice %arg4[%add3A_178, %dma_start3A_184] : memref<819200x128xf32, #tpu.memory_space<hbm>> -> memref<128x128xf32, #tpu.memory_space<hbm>>
      %dma_start3A_186 = arith.constant 0 : i32
      %dma_start3A_187 = tpu.memref_slice %arg4[%add3A_178, %dma_start3A_186] : memref<819200x128xf32, #tpu.memory_space<hbm>> -> memref<128x128xf32, #tpu.memory_space<hbm>>
      %dma_start3A_188 = arith.constant 0 : i32
      %dma_start3A_189 = arith.constant 0 : i32
      %dma_start3A_190 = tpu.memref_slice %arg6[%dma_start3A_179, %dma_start3A_188, %dma_start3A_189] : memref<5x128x128xf32, #tpu.memory_space<vmem>> -> memref<1x128x128xf32, #tpu.memory_space<vmem>>
      %dma_start3A_191 = tpu.memref_squeeze %dma_start3A_190 : memref<1x128x128xf32, #tpu.memory_space<vmem>> -> memref<128x128xf32, #tpu.memory_space<vmem>>
      tpu.enqueue_dma source(%dma_start3A_191 : memref<128x128xf32, #tpu.memory_space<vmem>>) target(%dma_start3A_187 : memref<128x128xf32, #tpu.memory_space<hbm>>) target_semaphore(%arg14 : memref<!tpu.dma_semaphore, #tpu.memory_space<semaphore_mem>>)
      %add3A_192 = arith.constant 4 : i32
      %add3A_193 = arith.addi %add3A_163, %add3A_192 : i32
      %lt3A_194 = arith.constant 200 : i32
      %lt3A_195 = arith.cmpi slt, %add3A_193, %lt3A_194 : i32
      %convert_element_type3A_196 = arith.extui %lt3A_195 : i1 to i32
      %cond3A_197 = arith.constant 0 : i32
      %cond3A_198 = arith.cmpi ne, %convert_element_type3A_196, %cond3A_197 : i32
      scf.if %cond3A_198 {
        %ge3A = arith.constant 1 : i32
        %ge3A_316 = arith.cmpi sge, %add3A_163, %ge3A : i32
        %convert_element_type3A_317 = arith.extui %ge3A_316 : i1 to i32
        %cond3A_318 = arith.constant 0 : i32
        %cond3A_319 = arith.cmpi ne, %convert_element_type3A_317, %cond3A_318 : i32
        scf.if %cond3A_319 {
          %dma_wait3A_333 = arith.constant 0 : i32
          %dma_wait3A_334 = arith.constant 0 : i32
          %dma_wait3A_335 = arith.constant 0 : i32
          %dma_wait3A_336 = tpu.memref_slice %arg6[%dma_wait3A_333, %dma_wait3A_334, %dma_wait3A_335] : memref<5x128x128xf32, #tpu.memory_space<vmem>> -> memref<1x128x128xf32, #tpu.memory_space<vmem>>
          %dma_wait3A_337 = tpu.memref_squeeze %dma_wait3A_336 : memref<1x128x128xf32, #tpu.memory_space<vmem>> -> memref<128x128xf32, #tpu.memory_space<vmem>>
          %dma_wait3A_338 = arith.constant 0 : i32
          %dma_wait3A_339 = tpu.memref_slice %arg4[%mul3A_2, %dma_wait3A_338] : memref<819200x128xf32, #tpu.memory_space<hbm>> -> memref<128x128xf32, #tpu.memory_space<hbm>>
          %dma_wait3A_340 = arith.constant 0 : i32
          %dma_wait3A_341 = tpu.memref_slice %arg4[%mul3A_2, %dma_wait3A_340] : memref<819200x128xf32, #tpu.memory_space<hbm>> -> memref<128x128xf32, #tpu.memory_space<hbm>>
          %dma_wait3A_342 = arith.constant 0 : i32
          %dma_wait3A_343 = arith.constant 0 : i32
          %dma_wait3A_344 = tpu.memref_slice %arg6[%dma_wait3A_333, %dma_wait3A_342, %dma_wait3A_343] : memref<5x128x128xf32, #tpu.memory_space<vmem>> -> memref<1x128x128xf32, #tpu.memory_space<vmem>>
          %dma_wait3A_345 = tpu.memref_squeeze %dma_wait3A_344 : memref<1x128x128xf32, #tpu.memory_space<vmem>> -> memref<128x128xf32, #tpu.memory_space<vmem>>
          tpu.wait_dma2 semaphore(%arg13 : memref<!tpu.dma_semaphore, #tpu.memory_space<semaphore_mem>>) src(%dma_wait3A_345 : memref<128x128xf32, #tpu.memory_space<vmem>>) dst(%dma_wait3A_341 : memref<128x128xf32, #tpu.memory_space<hbm>>)
        } else {
        }
        %add3A_320 = arith.constant 4 : i32
        %add3A_321 = arith.addi %add3A_163, %add3A_320 : i32
        %dma_start3A_322 = arith.constant 0 : i32
        %dma_start3A_323 = arith.constant 0 : i32
        %dma_start3A_324 = arith.constant 0 : i32
        %dma_start3A_325 = tpu.memref_slice %arg6[%dma_start3A_322, %dma_start3A_323, %dma_start3A_324] : memref<5x128x128xf32, #tpu.memory_space<vmem>> -> memref<1x128x128xf32, #tpu.memory_space<vmem>>
        %dma_start3A_326 = tpu.memref_squeeze %dma_start3A_325 : memref<1x128x128xf32, #tpu.memory_space<vmem>> -> memref<128x128xf32, #tpu.memory_space<vmem>>
        %dma_start3A_327 = arith.constant 0 : i32
        %dma_start3A_328 = tpu.memref_slice %arg5[%add3A_321, %dma_start3A_327] : memref<200x128xi32, #tpu.memory_space<vmem>> -> memref<1x128xi32, #tpu.memory_space<vmem>>
        %dma_start3A_329 = tpu.memref_squeeze %dma_start3A_328 : memref<1x128xi32, #tpu.memory_space<vmem>> -> memref<128xi32, #tpu.memory_space<vmem>>
        %dma_start3A_330 = arith.constant 0 : i32
        %dma_start3A_331 = arith.constant 0 : i32
        %dma_start3A_332 = tpu.memref_slice %arg7[%dma_start3A_330, %dma_start3A_331] : memref<500x128xf32, #tpu.memory_space<vmem_shared>> -> memref<500x128xf32, #tpu.memory_space<vmem_shared>>
        tpu.enqueue_indirect_dma source(%dma_start3A_332 : memref<500x128xf32, #tpu.memory_space<vmem_shared>>) target(%dma_start3A_326 : memref<128x128xf32, #tpu.memory_space<vmem>>) offsets(%dma_start3A_329 : memref<128xi32, #tpu.memory_space<vmem>>) semaphore(%arg8 : memref<!tpu.dma_semaphore, #tpu.memory_space<semaphore_mem>>)
      } else {
      }
      %mul3A_199 = arith.constant 5 : i32
      %mul3A_200 = arith.muli %mul3A_199, %scan3A_121 : i32
      %add3A_201 = arith.constant 2 : i32
      %add3A_202 = arith.addi %mul3A_200, %add3A_201 : i32
      %dma_wait3A_203 = arith.constant 0 : i32
      %dma_wait3A_204 = arith.constant 2 : i32
      %dma_wait3A_205 = arith.constant 0 : i32
      %dma_wait3A_206 = arith.constant 0 : i32
      %dma_wait3A_207 = tpu.memref_slice %arg6[%dma_wait3A_204, %dma_wait3A_205, %dma_wait3A_206] : memref<5x128x128xf32, #tpu.memory_space<vmem>> -> memref<1x128x128xf32, #tpu.memory_space<vmem>>
      %dma_wait3A_208 = tpu.memref_squeeze %dma_wait3A_207 : memref<1x128x128xf32, #tpu.memory_space<vmem>> -> memref<128x128xf32, #tpu.memory_space<vmem>>
      %dma_wait3A_209 = arith.constant 0 : i32
      %dma_wait3A_210 = tpu.memref_slice %arg5[%dma_wait3A_203, %dma_wait3A_209] : memref<200x128xi32, #tpu.memory_space<vmem>> -> memref<1x128xi32, #tpu.memory_space<vmem>>
      %dma_wait3A_211 = tpu.memref_squeeze %dma_wait3A_210 : memref<1x128xi32, #tpu.memory_space<vmem>> -> memref<128xi32, #tpu.memory_space<vmem>>
      %dma_wait3A_212 = arith.constant 0 : i32
      %dma_wait3A_213 = arith.constant 0 : i32
      %dma_wait3A_214 = tpu.memref_slice %arg7[%dma_wait3A_212, %dma_wait3A_213] : memref<500x128xf32, #tpu.memory_space<vmem_shared>> -> memref<500x128xf32, #tpu.memory_space<vmem_shared>>
      tpu.wait_indirect_dma semaphore(%arg10 : memref<!tpu.dma_semaphore, #tpu.memory_space<semaphore_mem>>) src(%dma_wait3A_214 : memref<500x128xf32, #tpu.memory_space<vmem_shared>>) dst(%dma_wait3A_208 : memref<128x128xf32, #tpu.memory_space<vmem>>)
      %mul3A_215 = arith.constant 128 : i32
      %mul3A_216 = arith.muli %add3A_202, %mul3A_215 : i32
      %add3A_217 = arith.addi %mul3A_2, %mul3A_216 : i32
      %dma_start3A_218 = arith.constant 2 : i32
      %dma_start3A_219 = arith.constant 0 : i32
      %dma_start3A_220 = arith.constant 0 : i32
      %dma_start3A_221 = tpu.memref_slice %arg6[%dma_start3A_218, %dma_start3A_219, %dma_start3A_220] : memref<5x128x128xf32, #tpu.memory_space<vmem>> -> memref<1x128x128xf32, #tpu.memory_space<vmem>>
      %dma_start3A_222 = tpu.memref_squeeze %dma_start3A_221 : memref<1x128x128xf32, #tpu.memory_space<vmem>> -> memref<128x128xf32, #tpu.memory_space<vmem>>
      %dma_start3A_223 = arith.constant 0 : i32
      %dma_start3A_224 = tpu.memref_slice %arg4[%add3A_217, %dma_start3A_223] : memref<819200x128xf32, #tpu.memory_space<hbm>> -> memref<128x128xf32, #tpu.memory_space<hbm>>
      %dma_start3A_225 = arith.constant 0 : i32
      %dma_start3A_226 = tpu.memref_slice %arg4[%add3A_217, %dma_start3A_225] : memref<819200x128xf32, #tpu.memory_space<hbm>> -> memref<128x128xf32, #tpu.memory_space<hbm>>
      %dma_start3A_227 = arith.constant 0 : i32
      %dma_start3A_228 = arith.constant 0 : i32
      %dma_start3A_229 = tpu.memref_slice %arg6[%dma_start3A_218, %dma_start3A_227, %dma_start3A_228] : memref<5x128x128xf32, #tpu.memory_space<vmem>> -> memref<1x128x128xf32, #tpu.memory_space<vmem>>
      %dma_start3A_230 = tpu.memref_squeeze %dma_start3A_229 : memref<1x128x128xf32, #tpu.memory_space<vmem>> -> memref<128x128xf32, #tpu.memory_space<vmem>>
      tpu.enqueue_dma source(%dma_start3A_230 : memref<128x128xf32, #tpu.memory_space<vmem>>) target(%dma_start3A_226 : memref<128x128xf32, #tpu.memory_space<hbm>>) target_semaphore(%arg15 : memref<!tpu.dma_semaphore, #tpu.memory_space<semaphore_mem>>)
      %add3A_231 = arith.constant 4 : i32
      %add3A_232 = arith.addi %add3A_202, %add3A_231 : i32
      %lt3A_233 = arith.constant 200 : i32
      %lt3A_234 = arith.cmpi slt, %add3A_232, %lt3A_233 : i32
      %convert_element_type3A_235 = arith.extui %lt3A_234 : i1 to i32
      %cond3A_236 = arith.constant 0 : i32
      %cond3A_237 = arith.cmpi ne, %convert_element_type3A_235, %cond3A_236 : i32
      scf.if %cond3A_237 {
        %ge3A = arith.constant 1 : i32
        %ge3A_316 = arith.cmpi sge, %add3A_202, %ge3A : i32
        %convert_element_type3A_317 = arith.extui %ge3A_316 : i1 to i32
        %cond3A_318 = arith.constant 0 : i32
        %cond3A_319 = arith.cmpi ne, %convert_element_type3A_317, %cond3A_318 : i32
        scf.if %cond3A_319 {
          %dma_wait3A_333 = arith.constant 1 : i32
          %dma_wait3A_334 = arith.constant 0 : i32
          %dma_wait3A_335 = arith.constant 0 : i32
          %dma_wait3A_336 = tpu.memref_slice %arg6[%dma_wait3A_333, %dma_wait3A_334, %dma_wait3A_335] : memref<5x128x128xf32, #tpu.memory_space<vmem>> -> memref<1x128x128xf32, #tpu.memory_space<vmem>>
          %dma_wait3A_337 = tpu.memref_squeeze %dma_wait3A_336 : memref<1x128x128xf32, #tpu.memory_space<vmem>> -> memref<128x128xf32, #tpu.memory_space<vmem>>
          %dma_wait3A_338 = arith.constant 0 : i32
          %dma_wait3A_339 = tpu.memref_slice %arg4[%mul3A_2, %dma_wait3A_338] : memref<819200x128xf32, #tpu.memory_space<hbm>> -> memref<128x128xf32, #tpu.memory_space<hbm>>
          %dma_wait3A_340 = arith.constant 0 : i32
          %dma_wait3A_341 = tpu.memref_slice %arg4[%mul3A_2, %dma_wait3A_340] : memref<819200x128xf32, #tpu.memory_space<hbm>> -> memref<128x128xf32, #tpu.memory_space<hbm>>
          %dma_wait3A_342 = arith.constant 0 : i32
          %dma_wait3A_343 = arith.constant 0 : i32
          %dma_wait3A_344 = tpu.memref_slice %arg6[%dma_wait3A_333, %dma_wait3A_342, %dma_wait3A_343] : memref<5x128x128xf32, #tpu.memory_space<vmem>> -> memref<1x128x128xf32, #tpu.memory_space<vmem>>
          %dma_wait3A_345 = tpu.memref_squeeze %dma_wait3A_344 : memref<1x128x128xf32, #tpu.memory_space<vmem>> -> memref<128x128xf32, #tpu.memory_space<vmem>>
          tpu.wait_dma2 semaphore(%arg14 : memref<!tpu.dma_semaphore, #tpu.memory_space<semaphore_mem>>) src(%dma_wait3A_345 : memref<128x128xf32, #tpu.memory_space<vmem>>) dst(%dma_wait3A_341 : memref<128x128xf32, #tpu.memory_space<hbm>>)
        } else {
        }
        %add3A_320 = arith.constant 4 : i32
        %add3A_321 = arith.addi %add3A_202, %add3A_320 : i32
        %dma_start3A_322 = arith.constant 1 : i32
        %dma_start3A_323 = arith.constant 0 : i32
        %dma_start3A_324 = arith.constant 0 : i32
        %dma_start3A_325 = tpu.memref_slice %arg6[%dma_start3A_322, %dma_start3A_323, %dma_start3A_324] : memref<5x128x128xf32, #tpu.memory_space<vmem>> -> memref<1x128x128xf32, #tpu.memory_space<vmem>>
        %dma_start3A_326 = tpu.memref_squeeze %dma_start3A_325 : memref<1x128x128xf32, #tpu.memory_space<vmem>> -> memref<128x128xf32, #tpu.memory_space<vmem>>
        %dma_start3A_327 = arith.constant 0 : i32
        %dma_start3A_328 = tpu.memref_slice %arg5[%add3A_321, %dma_start3A_327] : memref<200x128xi32, #tpu.memory_space<vmem>> -> memref<1x128xi32, #tpu.memory_space<vmem>>
        %dma_start3A_329 = tpu.memref_squeeze %dma_start3A_328 : memref<1x128xi32, #tpu.memory_space<vmem>> -> memref<128xi32, #tpu.memory_space<vmem>>
        %dma_start3A_330 = arith.constant 0 : i32
        %dma_start3A_331 = arith.constant 0 : i32
        %dma_start3A_332 = tpu.memref_slice %arg7[%dma_start3A_330, %dma_start3A_331] : memref<500x128xf32, #tpu.memory_space<vmem_shared>> -> memref<500x128xf32, #tpu.memory_space<vmem_shared>>
        tpu.enqueue_indirect_dma source(%dma_start3A_332 : memref<500x128xf32, #tpu.memory_space<vmem_shared>>) target(%dma_start3A_326 : memref<128x128xf32, #tpu.memory_space<vmem>>) offsets(%dma_start3A_329 : memref<128xi32, #tpu.memory_space<vmem>>) semaphore(%arg9 : memref<!tpu.dma_semaphore, #tpu.memory_space<semaphore_mem>>)
      } else {
      }
      %mul3A_238 = arith.constant 5 : i32
      %mul3A_239 = arith.muli %mul3A_238, %scan3A_121 : i32
      %add3A_240 = arith.constant 3 : i32
      %add3A_241 = arith.addi %mul3A_239, %add3A_240 : i32
      %dma_wait3A_242 = arith.constant 0 : i32
      %dma_wait3A_243 = arith.constant 3 : i32
      %dma_wait3A_244 = arith.constant 0 : i32
      %dma_wait3A_245 = arith.constant 0 : i32
      %dma_wait3A_246 = tpu.memref_slice %arg6[%dma_wait3A_243, %dma_wait3A_244, %dma_wait3A_245] : memref<5x128x128xf32, #tpu.memory_space<vmem>> -> memref<1x128x128xf32, #tpu.memory_space<vmem>>
      %dma_wait3A_247 = tpu.memref_squeeze %dma_wait3A_246 : memref<1x128x128xf32, #tpu.memory_space<vmem>> -> memref<128x128xf32, #tpu.memory_space<vmem>>
      %dma_wait3A_248 = arith.constant 0 : i32
      %dma_wait3A_249 = tpu.memref_slice %arg5[%dma_wait3A_242, %dma_wait3A_248] : memref<200x128xi32, #tpu.memory_space<vmem>> -> memref<1x128xi32, #tpu.memory_space<vmem>>
      %dma_wait3A_250 = tpu.memref_squeeze %dma_wait3A_249 : memref<1x128xi32, #tpu.memory_space<vmem>> -> memref<128xi32, #tpu.memory_space<vmem>>
      %dma_wait3A_251 = arith.constant 0 : i32
      %dma_wait3A_252 = arith.constant 0 : i32
      %dma_wait3A_253 = tpu.memref_slice %arg7[%dma_wait3A_251, %dma_wait3A_252] : memref<500x128xf32, #tpu.memory_space<vmem_shared>> -> memref<500x128xf32, #tpu.memory_space<vmem_shared>>
      tpu.wait_indirect_dma semaphore(%arg11 : memref<!tpu.dma_semaphore, #tpu.memory_space<semaphore_mem>>) src(%dma_wait3A_253 : memref<500x128xf32, #tpu.memory_space<vmem_shared>>) dst(%dma_wait3A_247 : memref<128x128xf32, #tpu.memory_space<vmem>>)
      %mul3A_254 = arith.constant 128 : i32
      %mul3A_255 = arith.muli %add3A_241, %mul3A_254 : i32
      %add3A_256 = arith.addi %mul3A_2, %mul3A_255 : i32
      %dma_start3A_257 = arith.constant 3 : i32
      %dma_start3A_258 = arith.constant 0 : i32
      %dma_start3A_259 = arith.constant 0 : i32
      %dma_start3A_260 = tpu.memref_slice %arg6[%dma_start3A_257, %dma_start3A_258, %dma_start3A_259] : memref<5x128x128xf32, #tpu.memory_space<vmem>> -> memref<1x128x128xf32, #tpu.memory_space<vmem>>
      %dma_start3A_261 = tpu.memref_squeeze %dma_start3A_260 : memref<1x128x128xf32, #tpu.memory_space<vmem>> -> memref<128x128xf32, #tpu.memory_space<vmem>>
      %dma_start3A_262 = arith.constant 0 : i32
      %dma_start3A_263 = tpu.memref_slice %arg4[%add3A_256, %dma_start3A_262] : memref<819200x128xf32, #tpu.memory_space<hbm>> -> memref<128x128xf32, #tpu.memory_space<hbm>>
      %dma_start3A_264 = arith.constant 0 : i32
      %dma_start3A_265 = tpu.memref_slice %arg4[%add3A_256, %dma_start3A_264] : memref<819200x128xf32, #tpu.memory_space<hbm>> -> memref<128x128xf32, #tpu.memory_space<hbm>>
      %dma_start3A_266 = arith.constant 0 : i32
      %dma_start3A_267 = arith.constant 0 : i32
      %dma_start3A_268 = tpu.memref_slice %arg6[%dma_start3A_257, %dma_start3A_266, %dma_start3A_267] : memref<5x128x128xf32, #tpu.memory_space<vmem>> -> memref<1x128x128xf32, #tpu.memory_space<vmem>>
      %dma_start3A_269 = tpu.memref_squeeze %dma_start3A_268 : memref<1x128x128xf32, #tpu.memory_space<vmem>> -> memref<128x128xf32, #tpu.memory_space<vmem>>
      tpu.enqueue_dma source(%dma_start3A_269 : memref<128x128xf32, #tpu.memory_space<vmem>>) target(%dma_start3A_265 : memref<128x128xf32, #tpu.memory_space<hbm>>) target_semaphore(%arg16 : memref<!tpu.dma_semaphore, #tpu.memory_space<semaphore_mem>>)
      %add3A_270 = arith.constant 4 : i32
      %add3A_271 = arith.addi %add3A_241, %add3A_270 : i32
      %lt3A_272 = arith.constant 200 : i32
      %lt3A_273 = arith.cmpi slt, %add3A_271, %lt3A_272 : i32
      %convert_element_type3A_274 = arith.extui %lt3A_273 : i1 to i32
      %cond3A_275 = arith.constant 0 : i32
      %cond3A_276 = arith.cmpi ne, %convert_element_type3A_274, %cond3A_275 : i32
      scf.if %cond3A_276 {
        %ge3A = arith.constant 1 : i32
        %ge3A_316 = arith.cmpi sge, %add3A_241, %ge3A : i32
        %convert_element_type3A_317 = arith.extui %ge3A_316 : i1 to i32
        %cond3A_318 = arith.constant 0 : i32
        %cond3A_319 = arith.cmpi ne, %convert_element_type3A_317, %cond3A_318 : i32
        scf.if %cond3A_319 {
          %dma_wait3A_333 = arith.constant 2 : i32
          %dma_wait3A_334 = arith.constant 0 : i32
          %dma_wait3A_335 = arith.constant 0 : i32
          %dma_wait3A_336 = tpu.memref_slice %arg6[%dma_wait3A_333, %dma_wait3A_334, %dma_wait3A_335] : memref<5x128x128xf32, #tpu.memory_space<vmem>> -> memref<1x128x128xf32, #tpu.memory_space<vmem>>
          %dma_wait3A_337 = tpu.memref_squeeze %dma_wait3A_336 : memref<1x128x128xf32, #tpu.memory_space<vmem>> -> memref<128x128xf32, #tpu.memory_space<vmem>>
          %dma_wait3A_338 = arith.constant 0 : i32
          %dma_wait3A_339 = tpu.memref_slice %arg4[%mul3A_2, %dma_wait3A_338] : memref<819200x128xf32, #tpu.memory_space<hbm>> -> memref<128x128xf32, #tpu.memory_space<hbm>>
          %dma_wait3A_340 = arith.constant 0 : i32
          %dma_wait3A_341 = tpu.memref_slice %arg4[%mul3A_2, %dma_wait3A_340] : memref<819200x128xf32, #tpu.memory_space<hbm>> -> memref<128x128xf32, #tpu.memory_space<hbm>>
          %dma_wait3A_342 = arith.constant 0 : i32
          %dma_wait3A_343 = arith.constant 0 : i32
          %dma_wait3A_344 = tpu.memref_slice %arg6[%dma_wait3A_333, %dma_wait3A_342, %dma_wait3A_343] : memref<5x128x128xf32, #tpu.memory_space<vmem>> -> memref<1x128x128xf32, #tpu.memory_space<vmem>>
          %dma_wait3A_345 = tpu.memref_squeeze %dma_wait3A_344 : memref<1x128x128xf32, #tpu.memory_space<vmem>> -> memref<128x128xf32, #tpu.memory_space<vmem>>
          tpu.wait_dma2 semaphore(%arg15 : memref<!tpu.dma_semaphore, #tpu.memory_space<semaphore_mem>>) src(%dma_wait3A_345 : memref<128x128xf32, #tpu.memory_space<vmem>>) dst(%dma_wait3A_341 : memref<128x128xf32, #tpu.memory_space<hbm>>)
        } else {
        }
        %add3A_320 = arith.constant 4 : i32
        %add3A_321 = arith.addi %add3A_241, %add3A_320 : i32
        %dma_start3A_322 = arith.constant 2 : i32
        %dma_start3A_323 = arith.constant 0 : i32
        %dma_start3A_324 = arith.constant 0 : i32
        %dma_start3A_325 = tpu.memref_slice %arg6[%dma_start3A_322, %dma_start3A_323, %dma_start3A_324] : memref<5x128x128xf32, #tpu.memory_space<vmem>> -> memref<1x128x128xf32, #tpu.memory_space<vmem>>
        %dma_start3A_326 = tpu.memref_squeeze %dma_start3A_325 : memref<1x128x128xf32, #tpu.memory_space<vmem>> -> memref<128x128xf32, #tpu.memory_space<vmem>>
        %dma_start3A_327 = arith.constant 0 : i32
        %dma_start3A_328 = tpu.memref_slice %arg5[%add3A_321, %dma_start3A_327] : memref<200x128xi32, #tpu.memory_space<vmem>> -> memref<1x128xi32, #tpu.memory_space<vmem>>
        %dma_start3A_329 = tpu.memref_squeeze %dma_start3A_328 : memref<1x128xi32, #tpu.memory_space<vmem>> -> memref<128xi32, #tpu.memory_space<vmem>>
        %dma_start3A_330 = arith.constant 0 : i32
        %dma_start3A_331 = arith.constant 0 : i32
        %dma_start3A_332 = tpu.memref_slice %arg7[%dma_start3A_330, %dma_start3A_331] : memref<500x128xf32, #tpu.memory_space<vmem_shared>> -> memref<500x128xf32, #tpu.memory_space<vmem_shared>>
        tpu.enqueue_indirect_dma source(%dma_start3A_332 : memref<500x128xf32, #tpu.memory_space<vmem_shared>>) target(%dma_start3A_326 : memref<128x128xf32, #tpu.memory_space<vmem>>) offsets(%dma_start3A_329 : memref<128xi32, #tpu.memory_space<vmem>>) semaphore(%arg10 : memref<!tpu.dma_semaphore, #tpu.memory_space<semaphore_mem>>)
      } else {
      }
      %mul3A_277 = arith.constant 5 : i32
      %mul3A_278 = arith.muli %mul3A_277, %scan3A_121 : i32
      %add3A_279 = arith.constant 4 : i32
      %add3A_280 = arith.addi %mul3A_278, %add3A_279 : i32
      %dma_wait3A_281 = arith.constant 0 : i32
      %dma_wait3A_282 = arith.constant 4 : i32
      %dma_wait3A_283 = arith.constant 0 : i32
      %dma_wait3A_284 = arith.constant 0 : i32
      %dma_wait3A_285 = tpu.memref_slice %arg6[%dma_wait3A_282, %dma_wait3A_283, %dma_wait3A_284] : memref<5x128x128xf32, #tpu.memory_space<vmem>> -> memref<1x128x128xf32, #tpu.memory_space<vmem>>
      %dma_wait3A_286 = tpu.memref_squeeze %dma_wait3A_285 : memref<1x128x128xf32, #tpu.memory_space<vmem>> -> memref<128x128xf32, #tpu.memory_space<vmem>>
      %dma_wait3A_287 = arith.constant 0 : i32
      %dma_wait3A_288 = tpu.memref_slice %arg5[%dma_wait3A_281, %dma_wait3A_287] : memref<200x128xi32, #tpu.memory_space<vmem>> -> memref<1x128xi32, #tpu.memory_space<vmem>>
      %dma_wait3A_289 = tpu.memref_squeeze %dma_wait3A_288 : memref<1x128xi32, #tpu.memory_space<vmem>> -> memref<128xi32, #tpu.memory_space<vmem>>
      %dma_wait3A_290 = arith.constant 0 : i32
      %dma_wait3A_291 = arith.constant 0 : i32
      %dma_wait3A_292 = tpu.memref_slice %arg7[%dma_wait3A_290, %dma_wait3A_291] : memref<500x128xf32, #tpu.memory_space<vmem_shared>> -> memref<500x128xf32, #tpu.memory_space<vmem_shared>>
      tpu.wait_indirect_dma semaphore(%arg12 : memref<!tpu.dma_semaphore, #tpu.memory_space<semaphore_mem>>) src(%dma_wait3A_292 : memref<500x128xf32, #tpu.memory_space<vmem_shared>>) dst(%dma_wait3A_286 : memref<128x128xf32, #tpu.memory_space<vmem>>)
      %mul3A_293 = arith.constant 128 : i32
      %mul3A_294 = arith.muli %add3A_280, %mul3A_293 : i32
      %add3A_295 = arith.addi %mul3A_2, %mul3A_294 : i32
      %dma_start3A_296 = arith.constant 4 : i32
      %dma_start3A_297 = arith.constant 0 : i32
      %dma_start3A_298 = arith.constant 0 : i32
      %dma_start3A_299 = tpu.memref_slice %arg6[%dma_start3A_296, %dma_start3A_297, %dma_start3A_298] : memref<5x128x128xf32, #tpu.memory_space<vmem>> -> memref<1x128x128xf32, #tpu.memory_space<vmem>>
      %dma_start3A_300 = tpu.memref_squeeze %dma_start3A_299 : memref<1x128x128xf32, #tpu.memory_space<vmem>> -> memref<128x128xf32, #tpu.memory_space<vmem>>
      %dma_start3A_301 = arith.constant 0 : i32
      %dma_start3A_302 = tpu.memref_slice %arg4[%add3A_295, %dma_start3A_301] : memref<819200x128xf32, #tpu.memory_space<hbm>> -> memref<128x128xf32, #tpu.memory_space<hbm>>
      %dma_start3A_303 = arith.constant 0 : i32
      %dma_start3A_304 = tpu.memref_slice %arg4[%add3A_295, %dma_start3A_303] : memref<819200x128xf32, #tpu.memory_space<hbm>> -> memref<128x128xf32, #tpu.memory_space<hbm>>
      %dma_start3A_305 = arith.constant 0 : i32
      %dma_start3A_306 = arith.constant 0 : i32
      %dma_start3A_307 = tpu.memref_slice %arg6[%dma_start3A_296, %dma_start3A_305, %dma_start3A_306] : memref<5x128x128xf32, #tpu.memory_space<vmem>> -> memref<1x128x128xf32, #tpu.memory_space<vmem>>
      %dma_start3A_308 = tpu.memref_squeeze %dma_start3A_307 : memref<1x128x128xf32, #tpu.memory_space<vmem>> -> memref<128x128xf32, #tpu.memory_space<vmem>>
      tpu.enqueue_dma source(%dma_start3A_308 : memref<128x128xf32, #tpu.memory_space<vmem>>) target(%dma_start3A_304 : memref<128x128xf32, #tpu.memory_space<hbm>>) target_semaphore(%arg17 : memref<!tpu.dma_semaphore, #tpu.memory_space<semaphore_mem>>)
      %add3A_309 = arith.constant 4 : i32
      %add3A_310 = arith.addi %add3A_280, %add3A_309 : i32
      %lt3A_311 = arith.constant 200 : i32
      %lt3A_312 = arith.cmpi slt, %add3A_310, %lt3A_311 : i32
      %convert_element_type3A_313 = arith.extui %lt3A_312 : i1 to i32
      %cond3A_314 = arith.constant 0 : i32
      %cond3A_315 = arith.cmpi ne, %convert_element_type3A_313, %cond3A_314 : i32
      scf.if %cond3A_315 {
        %ge3A = arith.constant 1 : i32
        %ge3A_316 = arith.cmpi sge, %add3A_280, %ge3A : i32
        %convert_element_type3A_317 = arith.extui %ge3A_316 : i1 to i32
        %cond3A_318 = arith.constant 0 : i32
        %cond3A_319 = arith.cmpi ne, %convert_element_type3A_317, %cond3A_318 : i32
        scf.if %cond3A_319 {
          %dma_wait3A_333 = arith.constant 3 : i32
          %dma_wait3A_334 = arith.constant 0 : i32
          %dma_wait3A_335 = arith.constant 0 : i32
          %dma_wait3A_336 = tpu.memref_slice %arg6[%dma_wait3A_333, %dma_wait3A_334, %dma_wait3A_335] : memref<5x128x128xf32, #tpu.memory_space<vmem>> -> memref<1x128x128xf32, #tpu.memory_space<vmem>>
          %dma_wait3A_337 = tpu.memref_squeeze %dma_wait3A_336 : memref<1x128x128xf32, #tpu.memory_space<vmem>> -> memref<128x128xf32, #tpu.memory_space<vmem>>
          %dma_wait3A_338 = arith.constant 0 : i32
          %dma_wait3A_339 = tpu.memref_slice %arg4[%mul3A_2, %dma_wait3A_338] : memref<819200x128xf32, #tpu.memory_space<hbm>> -> memref<128x128xf32, #tpu.memory_space<hbm>>
          %dma_wait3A_340 = arith.constant 0 : i32
          %dma_wait3A_341 = tpu.memref_slice %arg4[%mul3A_2, %dma_wait3A_340] : memref<819200x128xf32, #tpu.memory_space<hbm>> -> memref<128x128xf32, #tpu.memory_space<hbm>>
          %dma_wait3A_342 = arith.constant 0 : i32
          %dma_wait3A_343 = arith.constant 0 : i32
          %dma_wait3A_344 = tpu.memref_slice %arg6[%dma_wait3A_333, %dma_wait3A_342, %dma_wait3A_343] : memref<5x128x128xf32, #tpu.memory_space<vmem>> -> memref<1x128x128xf32, #tpu.memory_space<vmem>>
          %dma_wait3A_345 = tpu.memref_squeeze %dma_wait3A_344 : memref<1x128x128xf32, #tpu.memory_space<vmem>> -> memref<128x128xf32, #tpu.memory_space<vmem>>
          tpu.wait_dma2 semaphore(%arg16 : memref<!tpu.dma_semaphore, #tpu.memory_space<semaphore_mem>>) src(%dma_wait3A_345 : memref<128x128xf32, #tpu.memory_space<vmem>>) dst(%dma_wait3A_341 : memref<128x128xf32, #tpu.memory_space<hbm>>)
        } else {
        }
        %add3A_320 = arith.constant 4 : i32
        %add3A_321 = arith.addi %add3A_280, %add3A_320 : i32
        %dma_start3A_322 = arith.constant 3 : i32
        %dma_start3A_323 = arith.constant 0 : i32
        %dma_start3A_324 = arith.constant 0 : i32
        %dma_start3A_325 = tpu.memref_slice %arg6[%dma_start3A_322, %dma_start3A_323, %dma_start3A_324] : memref<5x128x128xf32, #tpu.memory_space<vmem>> -> memref<1x128x128xf32, #tpu.memory_space<vmem>>
        %dma_start3A_326 = tpu.memref_squeeze %dma_start3A_325 : memref<1x128x128xf32, #tpu.memory_space<vmem>> -> memref<128x128xf32, #tpu.memory_space<vmem>>
        %dma_start3A_327 = arith.constant 0 : i32
        %dma_start3A_328 = tpu.memref_slice %arg5[%add3A_321, %dma_start3A_327] : memref<200x128xi32, #tpu.memory_space<vmem>> -> memref<1x128xi32, #tpu.memory_space<vmem>>
        %dma_start3A_329 = tpu.memref_squeeze %dma_start3A_328 : memref<1x128xi32, #tpu.memory_space<vmem>> -> memref<128xi32, #tpu.memory_space<vmem>>
        %dma_start3A_330 = arith.constant 0 : i32
        %dma_start3A_331 = arith.constant 0 : i32
        %dma_start3A_332 = tpu.memref_slice %arg7[%dma_start3A_330, %dma_start3A_331] : memref<500x128xf32, #tpu.memory_space<vmem_shared>> -> memref<500x128xf32, #tpu.memory_space<vmem_shared>>
        tpu.enqueue_indirect_dma source(%dma_start3A_332 : memref<500x128xf32, #tpu.memory_space<vmem_shared>>) target(%dma_start3A_326 : memref<128x128xf32, #tpu.memory_space<vmem>>) offsets(%dma_start3A_329 : memref<128xi32, #tpu.memory_space<vmem>>) semaphore(%arg11 : memref<!tpu.dma_semaphore, #tpu.memory_space<semaphore_mem>>)
      } else {
      }
    }
    %scan3A_56 = arith.constant 40 : i32
    %dma_wait3A = arith.constant 0 : i32
    %dma_wait3A_57 = arith.constant 0 : i32
    %dma_wait3A_58 = arith.constant 0 : i32
    %dma_wait3A_59 = tpu.memref_slice %arg6[%dma_wait3A, %dma_wait3A_57, %dma_wait3A_58] : memref<5x128x128xf32, #tpu.memory_space<vmem>> -> memref<1x128x128xf32, #tpu.memory_space<vmem>>
    %dma_wait3A_60 = tpu.memref_squeeze %dma_wait3A_59 : memref<1x128x128xf32, #tpu.memory_space<vmem>> -> memref<128x128xf32, #tpu.memory_space<vmem>>
    %dma_wait3A_61 = arith.constant 0 : i32
    %dma_wait3A_62 = tpu.memref_slice %arg4[%mul3A_2, %dma_wait3A_61] : memref<819200x128xf32, #tpu.memory_space<hbm>> -> memref<128x128xf32, #tpu.memory_space<hbm>>
    %dma_wait3A_63 = arith.constant 0 : i32
    %dma_wait3A_64 = tpu.memref_slice %arg4[%mul3A_2, %dma_wait3A_63] : memref<819200x128xf32, #tpu.memory_space<hbm>> -> memref<128x128xf32, #tpu.memory_space<hbm>>
    %dma_wait3A_65 = arith.constant 0 : i32
    %dma_wait3A_66 = arith.constant 0 : i32
    %dma_wait3A_67 = tpu.memref_slice %arg6[%dma_wait3A, %dma_wait3A_65, %dma_wait3A_66] : memref<5x128x128xf32, #tpu.memory_space<vmem>> -> memref<1x128x128xf32, #tpu.memory_space<vmem>>
    %dma_wait3A_68 = tpu.memref_squeeze %dma_wait3A_67 : memref<1x128x128xf32, #tpu.memory_space<vmem>> -> memref<128x128xf32, #tpu.memory_space<vmem>>
    tpu.wait_dma2 semaphore(%arg13 : memref<!tpu.dma_semaphore, #tpu.memory_space<semaphore_mem>>) src(%dma_wait3A_68 : memref<128x128xf32, #tpu.memory_space<vmem>>) dst(%dma_wait3A_64 : memref<128x128xf32, #tpu.memory_space<hbm>>)
    %dma_wait3A_69 = arith.constant 1 : i32
    %dma_wait3A_70 = arith.constant 0 : i32
    %dma_wait3A_71 = arith.constant 0 : i32
    %dma_wait3A_72 = tpu.memref_slice %arg6[%dma_wait3A_69, %dma_wait3A_70, %dma_wait3A_71] : memref<5x128x128xf32, #tpu.memory_space<vmem>> -> memref<1x128x128xf32, #tpu.memory_space<vmem>>
    %dma_wait3A_73 = tpu.memref_squeeze %dma_wait3A_72 : memref<1x128x128xf32, #tpu.memory_space<vmem>> -> memref<128x128xf32, #tpu.memory_space<vmem>>
    %dma_wait3A_74 = arith.constant 0 : i32
    %dma_wait3A_75 = tpu.memref_slice %arg4[%mul3A_2, %dma_wait3A_74] : memref<819200x128xf32, #tpu.memory_space<hbm>> -> memref<128x128xf32, #tpu.memory_space<hbm>>
    %dma_wait3A_76 = arith.constant 0 : i32
    %dma_wait3A_77 = tpu.memref_slice %arg4[%mul3A_2, %dma_wait3A_76] : memref<819200x128xf32, #tpu.memory_space<hbm>> -> memref<128x128xf32, #tpu.memory_space<hbm>>
    %dma_wait3A_78 = arith.constant 0 : i32
    %dma_wait3A_79 = arith.constant 0 : i32
    %dma_wait3A_80 = tpu.memref_slice %arg6[%dma_wait3A_69, %dma_wait3A_78, %dma_wait3A_79] : memref<5x128x128xf32, #tpu.memory_space<vmem>> -> memref<1x128x128xf32, #tpu.memory_space<vmem>>
    %dma_wait3A_81 = tpu.memref_squeeze %dma_wait3A_80 : memref<1x128x128xf32, #tpu.memory_space<vmem>> -> memref<128x128xf32, #tpu.memory_space<vmem>>
    tpu.wait_dma2 semaphore(%arg14 : memref<!tpu.dma_semaphore, #tpu.memory_space<semaphore_mem>>) src(%dma_wait3A_81 : memref<128x128xf32, #tpu.memory_space<vmem>>) dst(%dma_wait3A_77 : memref<128x128xf32, #tpu.memory_space<hbm>>)
    %dma_wait3A_82 = arith.constant 2 : i32
    %dma_wait3A_83 = arith.constant 0 : i32
    %dma_wait3A_84 = arith.constant 0 : i32
    %dma_wait3A_85 = tpu.memref_slice %arg6[%dma_wait3A_82, %dma_wait3A_83, %dma_wait3A_84] : memref<5x128x128xf32, #tpu.memory_space<vmem>> -> memref<1x128x128xf32, #tpu.memory_space<vmem>>
    %dma_wait3A_86 = tpu.memref_squeeze %dma_wait3A_85 : memref<1x128x128xf32, #tpu.memory_space<vmem>> -> memref<128x128xf32, #tpu.memory_space<vmem>>
    %dma_wait3A_87 = arith.constant 0 : i32
    %dma_wait3A_88 = tpu.memref_slice %arg4[%mul3A_2, %dma_wait3A_87] : memref<819200x128xf32, #tpu.memory_space<hbm>> -> memref<128x128xf32, #tpu.memory_space<hbm>>
    %dma_wait3A_89 = arith.constant 0 : i32
    %dma_wait3A_90 = tpu.memref_slice %arg4[%mul3A_2, %dma_wait3A_89] : memref<819200x128xf32, #tpu.memory_space<hbm>> -> memref<128x128xf32, #tpu.memory_space<hbm>>
    %dma_wait3A_91 = arith.constant 0 : i32
    %dma_wait3A_92 = arith.constant 0 : i32
    %dma_wait3A_93 = tpu.memref_slice %arg6[%dma_wait3A_82, %dma_wait3A_91, %dma_wait3A_92] : memref<5x128x128xf32, #tpu.memory_space<vmem>> -> memref<1x128x128xf32, #tpu.memory_space<vmem>>
    %dma_wait3A_94 = tpu.memref_squeeze %dma_wait3A_93 : memref<1x128x128xf32, #tpu.memory_space<vmem>> -> memref<128x128xf32, #tpu.memory_space<vmem>>
    tpu.wait_dma2 semaphore(%arg15 : memref<!tpu.dma_semaphore, #tpu.memory_space<semaphore_mem>>) src(%dma_wait3A_94 : memref<128x128xf32, #tpu.memory_space<vmem>>) dst(%dma_wait3A_90 : memref<128x128xf32, #tpu.memory_space<hbm>>)
    %dma_wait3A_95 = arith.constant 3 : i32
    %dma_wait3A_96 = arith.constant 0 : i32
    %dma_wait3A_97 = arith.constant 0 : i32
    %dma_wait3A_98 = tpu.memref_slice %arg6[%dma_wait3A_95, %dma_wait3A_96, %dma_wait3A_97] : memref<5x128x128xf32, #tpu.memory_space<vmem>> -> memref<1x128x128xf32, #tpu.memory_space<vmem>>
    %dma_wait3A_99 = tpu.memref_squeeze %dma_wait3A_98 : memref<1x128x128xf32, #tpu.memory_space<vmem>> -> memref<128x128xf32, #tpu.memory_space<vmem>>
    %dma_wait3A_100 = arith.constant 0 : i32
    %dma_wait3A_101 = tpu.memref_slice %arg4[%mul3A_2, %dma_wait3A_100] : memref<819200x128xf32, #tpu.memory_space<hbm>> -> memref<128x128xf32, #tpu.memory_space<hbm>>
    %dma_wait3A_102 = arith.constant 0 : i32
    %dma_wait3A_103 = tpu.memref_slice %arg4[%mul3A_2, %dma_wait3A_102] : memref<819200x128xf32, #tpu.memory_space<hbm>> -> memref<128x128xf32, #tpu.memory_space<hbm>>
    %dma_wait3A_104 = arith.constant 0 : i32
    %dma_wait3A_105 = arith.constant 0 : i32
    %dma_wait3A_106 = tpu.memref_slice %arg6[%dma_wait3A_95, %dma_wait3A_104, %dma_wait3A_105] : memref<5x128x128xf32, #tpu.memory_space<vmem>> -> memref<1x128x128xf32, #tpu.memory_space<vmem>>
    %dma_wait3A_107 = tpu.memref_squeeze %dma_wait3A_106 : memref<1x128x128xf32, #tpu.memory_space<vmem>> -> memref<128x128xf32, #tpu.memory_space<vmem>>
    tpu.wait_dma2 semaphore(%arg16 : memref<!tpu.dma_semaphore, #tpu.memory_space<semaphore_mem>>) src(%dma_wait3A_107 : memref<128x128xf32, #tpu.memory_space<vmem>>) dst(%dma_wait3A_103 : memref<128x128xf32, #tpu.memory_space<hbm>>)
    %dma_wait3A_108 = arith.constant 4 : i32
    %dma_wait3A_109 = arith.constant 0 : i32
    %dma_wait3A_110 = arith.constant 0 : i32
    %dma_wait3A_111 = tpu.memref_slice %arg6[%dma_wait3A_108, %dma_wait3A_109, %dma_wait3A_110] : memref<5x128x128xf32, #tpu.memory_space<vmem>> -> memref<1x128x128xf32, #tpu.memory_space<vmem>>
    %dma_wait3A_112 = tpu.memref_squeeze %dma_wait3A_111 : memref<1x128x128xf32, #tpu.memory_space<vmem>> -> memref<128x128xf32, #tpu.memory_space<vmem>>
    %dma_wait3A_113 = arith.constant 0 : i32
    %dma_wait3A_114 = tpu.memref_slice %arg4[%mul3A_2, %dma_wait3A_113] : memref<819200x128xf32, #tpu.memory_space<hbm>> -> memref<128x128xf32, #tpu.memory_space<hbm>>
    %dma_wait3A_115 = arith.constant 0 : i32
    %dma_wait3A_116 = tpu.memref_slice %arg4[%mul3A_2, %dma_wait3A_115] : memref<819200x128xf32, #tpu.memory_space<hbm>> -> memref<128x128xf32, #tpu.memory_space<hbm>>
    %dma_wait3A_117 = arith.constant 0 : i32
    %dma_wait3A_118 = arith.constant 0 : i32
    %dma_wait3A_119 = tpu.memref_slice %arg6[%dma_wait3A_108, %dma_wait3A_117, %dma_wait3A_118] : memref<5x128x128xf32, #tpu.memory_space<vmem>> -> memref<1x128x128xf32, #tpu.memory_space<vmem>>
    %dma_wait3A_120 = tpu.memref_squeeze %dma_wait3A_119 : memref<1x128x128xf32, #tpu.memory_space<vmem>> -> memref<128x128xf32, #tpu.memory_space<vmem>>
    tpu.wait_dma2 semaphore(%arg17 : memref<!tpu.dma_semaphore, #tpu.memory_space<semaphore_mem>>) src(%dma_wait3A_120 : memref<128x128xf32, #tpu.memory_space<vmem>>) dst(%dma_wait3A_116 : memref<128x128xf32, #tpu.memory_space<hbm>>)
    return
  }
}

</mosaic_0001>

<sc_bundles>
// kernel: kernel.3.cloned.1.call-start
scs
__scs_entry_jumppad:
0x0: {  	(pc) =	sbr.rel $0x88, $3  }
0x1: {  	(tag) =	ssettag $0x0;
	lr =	simm.s32 $0x1  }
0x2: {  	[smem:$0x3F9F] =	sst lr;
	_ =	strace $0xD0000000  }
0x3: {  	_ = 	snop  }
0x4: {  	_ = 	snop  }
0x5: {  	_ = 	snop  }
0x6: {  	_ = 	snop  }
0x7: {  	_ = 	snop  }
__scs_overlays_trampoline_lowered:
0x8: {  	[smem:$0x3FAE] =	sst s0  }
0x9: {  	[smem:$0x3FAF] =	sst s1  }
0xa: {  	[smem:$0x3FB0] =	sst s2  }
0xb: {  	[smem:$0x3FB1] =	sst s3  }
0xc: {  	[smem:$0x3FB2] =	sst s4  }
0xd: {  	[smem:$0x3FB3] =	sst s5  }
0xe: {  	[smem:$0x3FB4] =	sst s6  }
0xf: {  	[smem:$0x3FB5] =	sst s7  }
0x10: {  	[smem:$0x3FB6] =	sst s8  }
0x11: {  	[smem:$0x3FB7] =	sst s9;
	s0 =	simm.s32 @!p0 $0x0  }
0x12: {  	s1 =	sld [smem:$0x3F9D];
	s0 =	simm.s32 @p0 $0x1  }
0x13: {  	[smem:$0x3FB8] =	sst s0;
	s0 =	simm.s32 @!p1 $0x0  }
0x14: {  	s2 =	sld [smem:$0x3F9C];
	s0 =	simm.s32 @p1 $0x1  }
0x15: {  	[smem:$0x3FB9] =	sst s0;
	s0 =	simm.s32 @!p2 $0x0  }
0x16: {  	s3 =	sld [smem:$0x3FDB];
	s0 =	simm.s32 @p2 $0x1  }
0x17: {  	s4 =	simm.s32 $0x1BF5;
	[smem:$0x3FBB] =	sst s0  }
0x18: {  	s0 =	sld [smem:$0x3F9E];
	_ =	swait.ge [sflag:s4], $0x0  }
0x19: {  	s7 =	sld [smem:$0x3F9F]  }
0x1a: {  	s8 =	sadd.s32 $0xFFFFE003, lr  }
0x1b: {  	s9 =	sadd.s32 $0xFFFFFEF7, lr;
	s5 =	simm.s32 $0xFFFFFFFF;
	p2 =	slt.u32 s8, $0xFFFFF086  }
0x1c: {  	p1 =	slt.u32 s9, $0xF7A;
	s5 =	simm.s32 @!p2 $0x0  }
0x1d: {  	s5 =	simm.s32 @p1 $0x1;
	p0 =	seq.s32 s7, s2  }
0x1e: {  	s7 =	smul.u32 @!p0 $0xF7A, s2;
	p2 =	seq.s32 @!p0 s5, $0x0  }
0x1f: {  	s9 =	smul.u32 $0xF7A, s1;
	s8 =	simm.s32 @!p0 $0x1BF5;
	p2 =	por !p2, p0  }
0x20: {  	[sflag:s8] =	ssyncset.s32 @!p0 $0xFFFFF086;
	s6 =	sadd.s32 @!p0 s3, s7;
	s7 =	simm.s32 @!p0 $0x108  }
0x21: {  	s3 =	sadd.s32 s3, s9;
	s6 =	sadd.s32 @!p0 $0x88, s6;
	s7 =	simm.s32 @p2 $0x1082  }
0x22: {  	[simem:s7], [sflag:s8] =	dma.local @!p0 [hbm:s6], $0xF7A  }
0x23: {  	s9 =	sor.u32 $0xD0000000, s2;
	s6 =	simm.s32 $0x108;
	_ =	swait.ge @!p0 [sflag:s8], $0x0  }
0x24: {  	s3 =	sadd.s32 $0x88, s3;
	s6 =	simm.s32 @!p1 $0x1082;
	[sflag:s4] =	ssyncset.s32 $0xFFFFF086  }
0x25: {  	[simem:s6], [sflag:s4] =	dma.local [hbm:s3], $0xF7A  }
0x26: {  	[smem:$0x3F9F] =	sst s1;
	(tag) =	ssettag s2;
	_ =	strace s9  }
0x27: {  	s1 =	sld [smem:$0x3FAF]  }
0x28: {  	s2 =	sld [smem:$0x3FB0]  }
0x29: {  	s4 =	sld [smem:$0x3FB2]  }
0x2a: {  	p0 =	seq.s32 s5, $0x0;
	s5 =	sld [smem:$0x3FB3]  }
0x2b: {  	s6 =	sld [smem:$0x3FB4]  }
0x2c: {  	s7 =	sld [smem:$0x3FB5]  }
0x2d: {  	s3 =	simm.s32 $0x108;
	s8 =	sld [smem:$0x3FB6]  }
0x2e: {  	s3 =	simm.s32 @!p0 $0x1082;
	s9 =	sld [smem:$0x3FB7]  }
0x2f: {  	lr =	sadd.s32 s0, s3;
	s0 =	sld [smem:$0x3FAE]  }
0x30: {  	s3 =	sld [smem:$0x3FB1]  }
0x31: {  	[smem:$0x3FBA] =	sst s10  }
0x32: {  	s10 =	sld [smem:$0x3FB8];
	_ =	sdelay $0x3  }
0x33: {  	p0 =	seq.s32 s10, $0x1;
	s10 =	sld [smem:$0x3FBA];
	_ =	sdelay $0x3  }
0x34: {  	[smem:$0x3FBA] =	sst s10  }
0x35: {  	s10 =	sld [smem:$0x3FB9];
	_ =	sdelay $0x3  }
0x36: {  	p1 =	seq.s32 s10, $0x1;
	s10 =	sld [smem:$0x3FBA];
	_ =	sdelay $0x3  }
0x37: {  	[smem:$0x3FBA] =	sst s10  }
0x38: {  	s10 =	sld [smem:$0x3FBB]  }
0x39: {  	_ = 	snop;
	(pc) =	sbr.ind lr, $3  }
0x3a: {  	_ = 	snop  }
0x3b: {  	_ = 	snop  }
0x3c: {  	p2 =	seq.s32 s10, $0x1;
	s10 =	sld [smem:$0x3FBA]  }
0x3d: {  	_ =	shalt  }
0x3e: {  	_ =	shalt  }
0x3f: {  	_ =	shalt  }
0x40: {  	_ =	shalt  }
0x41: {  	_ =	shalt  }
0x42: {  	_ =	shalt  }
0x43: {  	_ =	shalt  }
0x44: {  	_ =	shalt  }
0x45: {  	_ =	shalt  }
0x46: {  	_ =	shalt  }
0x47: {  	_ =	shalt  }
0x48: {  	_ =	shalt  }
0x49: {  	_ =	shalt  }
0x4a: {  	_ =	shalt  }
0x4b: {  	_ =	shalt  }
0x4c: {  	_ =	shalt  }
0x4d: {  	_ =	shalt  }
0x4e: {  	_ =	shalt  }
0x4f: {  	_ =	shalt  }
0x50: {  	_ =	shalt  }
0x51: {  	_ =	shalt  }
0x52: {  	_ =	shalt  }
0x53: {  	_ =	shalt  }
0x54: {  	_ =	shalt  }
0x55: {  	_ =	shalt  }
0x56: {  	_ =	shalt  }
0x57: {  	_ =	shalt  }
0x58: {  	_ =	shalt  }
0x59: {  	_ =	shalt  }
0x5a: {  	_ =	shalt  }
0x5b: {  	_ =	shalt  }
0x5c: {  	_ =	shalt  }
0x5d: {  	_ =	shalt  }
0x5e: {  	_ =	shalt  }
0x5f: {  	_ =	shalt  }
0x60: {  	_ =	shalt  }
0x61: {  	_ =	shalt  }
0x62: {  	_ =	shalt  }
0x63: {  	_ =	shalt  }
0x64: {  	_ =	shalt  }
0x65: {  	_ =	shalt  }
0x66: {  	_ =	shalt  }
0x67: {  	_ =	shalt  }
0x68: {  	_ =	shalt  }
0x69: {  	_ =	shalt  }
0x6a: {  	_ =	shalt  }
0x6b: {  	_ =	shalt  }
0x6c: {  	_ =	shalt  }
0x6d: {  	_ =	shalt  }
0x6e: {  	_ =	shalt  }
0x6f: {  	_ =	shalt  }
0x70: {  	_ =	shalt  }
0x71: {  	_ =	shalt  }
0x72: {  	_ =	shalt  }
0x73: {  	_ =	shalt  }
0x74: {  	_ =	shalt  }
0x75: {  	_ =	shalt  }
0x76: {  	_ =	shalt  }
0x77: {  	_ =	shalt  }
0x78: {  	_ =	shalt  }
0x79: {  	_ =	shalt  }
0x7a: {  	_ =	shalt  }
0x7b: {  	_ =	shalt  }
0x7c: {  	_ =	shalt  }
0x7d: {  	_ =	shalt  }
0x7e: {  	_ =	shalt  }
0x7f: {  	_ =	shalt  }
0x80: {  	_ =	shalt  }
0x81: {  	_ =	shalt  }
0x82: {  	_ =	shalt  }
0x83: {  	_ =	shalt  }
0x84: {  	_ =	shalt  }
0x85: {  	_ =	shalt  }
0x86: {  	_ =	shalt  }
0x87: {  	_ =	shalt  }
.Lfunc_end0:
.L_simem_size_0:
called_computation_lowered:
.L_overlay_start_0:
0x88: {  	s2 =	sld [smem:$0x3FD9]  }
0x89: {  	s3 =	sld [smem:$0x3FFE];
	_ =	sdelay $0x1  }
0x8a: {  	s1 =	srdreg.scid  }
0x8b: {  	s0 =	sand.u32 $0x1, s1  }
0x8c: {  	s17 =	sshll.u32 s0, $0xA;
	s2 =	sadd.s32 s3, s2  }
0x8d: {  	s2 =	sadd.s32 s2, s17  }
0x8e: {  	[smem:$0x3FC6] =	sst s2  }
0x8f: {  	_ = 	snop  }
0x90: {  	s2 =	sld [smem:$0x3FD0];
	(tm) =	ssettm $0x1  }
0x91: {  	s18 =	sld [smem:$0x3FFB];
	_ =	sdelay $0x3  }
0x92: {  	_ =	strace s18  }
0x93: {  	s3 =	sld [smem:$0x3FFC];
	_ =	sdelay $0x3  }
0x94: {  	_ =	strace s3  }
0x95: {  	s3 =	sld [smem:$0x3FFD];
	_ =	sdelay $0x3  }
0x96: {  	_ =	strace s3  }
0x97: {  	_ =	strace $0x8FFFFFFF  }
0x98: {  	s19 =	sld [smem:$0x3FDB];
	_ =	sdelay $0x1  }
0x99: {  	s4 =	simm.s32 $_scs_section_size  }
0x9a: {  	s5 =	simm.s32 $_size__tile_overlayer_lowered;
	s6 =	simm.s32 $_tile_overlayer_lowered  }
0x9b: {  	s22 =	simm.s32 $0x1BFF;
	s21 =	sshll.u32 s6, $0x1;
	s3 =	sadd.s32 s4, s19  }
0x9c: {  	s7 =	simm.s32 $0x0;
	s20 =	sshll.u32 s5, $0x1;
	s5 =	sadd.s32 s21, s3  }
0x9d: {  	[timem:s7], [sflag:s22] =	dma.local [hbm:s5], s20  }
0x9e: {  	_ =	swait.ge [sflag:s22], s20  }
0x9f: {  	s4 =	ssub.s32 $0x0, s20;
	[sflag:s22] =	ssyncset.done $0x0  }
0xa0: {  	[sflag:s22] =	ssyncadd.s32 s4;
	_ =	sdelay $0x1  }
0xa1: {  	s23 =	simm.s32 $0x1B8B  }
0xa2: {  	_ =	swait.ge [sflag:s23], $0x1  }
0xa3: {  	[sflag:s23] =	ssyncset.done $0x0  }
0xa4: {  	s25 =	simm.s32 $0x1B8E;
	s24 =	sld [smem:$0x3FFE];
	[sflag:s23] =	ssyncadd.s32 $0xFFFFFFFF  }
0xa5: {  	s26 =	simm.s32 $execute0_lowered;
	[smem:$0x3FD2] =	sst s25  }
0xa6: {  	s5 =	sshll.u32 s26, $0x1;
	_ =	strace $0x80000046;
	[dreg:$0x1] =	wrdreg $0xFFFFFFFF  }
0xa7: {  	s28 =	simm.s32 $_size_execute0_lowered;
	s3 =	sadd.s32 s3, s5;
	[dreg:$0x0] =	wrdreg $0x0  }
0xa8: {  	s5 =	sshll.u32 s28, $0x1;
	[dreg:$0x2] =	wrdreg s3  }
0xa9: {  	[dreg:$0x3] =	wrdreg s5  }
0xaa: {  	[dreg:$0x4] =	wrdreg $0xC0  }
0xab: {  	_ =	task [dreg:s7], $0x5FFFF  }
0xac: {  	[dreg:$0x1] =	wrdreg $0xFFFFFFFF  }
0xad: {  	[dreg:$0x0] =	wrdreg $0x60  }
0xae: {  	[dreg:$0x2] =	wrdreg s24  }
0xaf: {  	[dreg:$0x3] =	wrdreg s2  }
0xb0: {  	[dreg:$0x4] =	wrdreg $0x1A4000  }
0xb1: {  	[dreg:$0x5] =	wrdreg $0x9  }
0xb2: {  	_ =	task.clear_ibuf [dreg:s7], $0x6FFFF;
	_ =	strace $0x90000046  }
0xb3: {  	s29 =	simm.s32 $0x9;
	_ =	strace $0x80000048  }
0xb4: {  	_ =	swait.ge [sflag:s29], $0x1  }
0xb5: {  	[sflag:s29] =	ssyncadd.s32 $0xFFFFFFFF  }
0xb6: {  	_ =	strace $0x90000048  }
0xb7: {  	_ =	sfence  }
0xb8: {  	s30 =	sld [smem:$0x0];
	_ =	sdelay $0x2  }
0xb9: {  	s31 =	sshll.u32 s1, $0xD;
	s1 =	sshrl.u32 s1, $0x2  }
0xba: {  	s3 =	sand.u32 $0x4000, s31;
	s1 =	sadd.s32 s1, s30  }
0xbb: {  	s0 =	sor.u32 s3, s0;
	s1 =	sshll.u32 s1, $0x11  }
0xbc: {  	s0 =	sor.u32 s1, s0  }
0xbd: {  	s0 =	sadd.s32 $0x8F2B, s0  }
0xbe: {  	[sflag:s0] =	ssyncadd.remote.s32 $0x1  }
0xbf: {  	_ =	sfence.sel $0xFFFF  }
0xc0: {  	[dreg:$0x0] =	wrdreg $0xFFFFFFFF;
	(pc) =	sbr.abs _section_cstart, $3  }
0xc1: {  	[dreg:$0x1] =	wrdreg $0xFFFFFFFF  }
0xc2: {  	_ =	task.clear_ibuf [dreg:s7], $0x2FFFF;
	_ =	strace $0x9FFFFFFF  }
0xc3: {  	(tm) =	ssettm $0x7FFFFFFF  }
tec
execute0_lowered:
.L_overlay_start_1:
0x0: {  	(tag) =	ssettag $0x1  }
0x1: {  	s0 =	rddreg [dreg:$0x0]  }
0x2: {  	s4 =	rddreg [dreg:$0x1];
	s2 =	srdreg.scid  }
0x3: {  	s5 =	stileid.u32;
	s1 =	rddreg [dreg:$0x2]  }
0x4: {  	s13 =	simm.s32 $0xB;
	s14 =	simm.s32 $0x80;
	s15 =	simm.s32 $0x6400  }
0x5: {  	s28 =	simm.s32 $0x7;
	s29 =	simm.s32 $0x8;
	s30 =	simm.s32 $0x9  }
0x6: {  	s31 =	simm.s32 $0xA;
	s7 =	sand.u32 $0x1, s2;
	s8 =	smul.u32 $0x640000, s5  }
0x7: {  	s3 =	sshll.u32 s5, $0x1;
	s2 =	simm.s32 $0x0;
	s23 =	smul.u32 $0xC8000, s5  }
0x8: {  	p0 =	sne.s32 s5, $0x0;
	s3 =	sor.u32 s7, s3;
	s10 =	smul.u32 $0x320000, s7  }
0x9: {  	[smem:$0x7FF] =	sst s2;
	s9 =	ssub.s32 $0x2, s7;
	s7 =	smul.u32 $0x64000, s7  }
0xa: {  	s6 =	smul.u32 $0x6400, s3;
	_ =	strace $0x80000047;
	s11 =	sshrl.u32 s9, $0x1  }
0xb: {  	s3 =	smul.u32 $0x320000, s3;
	s25 =	sadd.s32 s23, s4;
	s23 =	simm.s32 $0x2  }
0xc: {  	s16 =	ssub.s32 s9, s11;
	s8 =	sadd.s32 s10, s8;
	s6 =	sshrl.u32 s6, $0x3  }
0xd: {  	s3 =	sshrl.u32 s3, $0x3;
	s17 =	sor.u32 $0xC000, s8;
	s21 =	sor.u32 $0x8000, s8  }
0xe: {  	s22 =	sor.u32 $0x4000, s8;
	s8 =	sor.u32 $0x10000, s8;
	s6 =	sadd.s32 s6, s0  }
0xf: {  	s0 =	sadd.s32 $0x400, s0;
	s18 =	sadd.s32 s4, s3;
	s19 =	sshrl.u32 s17, $0x3  }
0x10: {  	s24 =	sshrl.u32 s22, $0x3;
	s26 =	sshrl.u32 s8, $0x3;
	s22 =	simm.s32 $0x16400  }
0x11: {  	[dreg:$0x4] =	wrdreg s0;
	s6 =	sadd.s32 $0x2400, s6;
	s0 =	smax.u32 s16, $0x1  }
0x12: {  	s20 =	sadd.s32 s19, s4;
	s16 =	simm.s32 $0xA400;
	[dreg:$0x5] =	wrdreg s6  }
0x13: {  	[dreg:$0x6] =	wrdreg s0;
	s6 =	sadd.s32 $0x62800, s18;
	s0 =	sshrl.u32 s21, $0x3  }
0x14: {  	[dreg:$0x7] =	wrdreg s20;
	s20 =	simm.s32 $0x12400;
	s0 =	sadd.s32 s0, s4  }
.Ltmp0:
0x15: {  	[dreg:$0x8] =	wrdreg s0;
	s0 =	sadd.s32 s24, s4;
	(pc) =	sbr.rel .LBB2_1-.Ltmp0, $4  }
0x16: {  	s21 =	simm.s32 $0x1;
	[dreg:$0x9] =	wrdreg s0;
	s0 =	sadd.s32 s7, s25  }
0x17: {  	s24 =	simm.s32 $0x4;
	[dreg:$0xa] =	wrdreg s0;
	s0 =	sadd.s32 s26, s4  }
0x18: {  	s25 =	simm.s32 $0x5;
	[dreg:$0xb] =	wrdreg s0;
	s0 =	sshrl.u32 @!p0 s1, $0x3  }
0x19: {  	s26 =	simm.s32 $0x6;
	[dreg:$0xc] =	wrdreg s0;
	s0 =	simm.s32 $0x0  }
.LBB2_4:
0x1a: {  	_ =	swait.ge [sflag:s26], $0x4000  }
0x1b: {  	[sflag:s26] =	ssyncset.done $0x0  }
0x1c: {  	[sflag:s26] =	ssyncadd.s32 $0xFFFFC000  }
0x1d: {  	_ =	swait.ge [sflag:s28], $0x4000  }
0x1e: {  	[sflag:s28] =	ssyncset.done $0x0  }
0x1f: {  	[sflag:s28] =	ssyncadd.s32 $0xFFFFC000  }
0x20: {  	_ =	swait.ge [sflag:s29], $0x4000  }
0x21: {  	[sflag:s29] =	ssyncset.done $0x0  }
0x22: {  	[sflag:s29] =	ssyncadd.s32 $0xFFFFC000  }
0x23: {  	_ =	swait.ge [sflag:s30], $0x4000  }
0x24: {  	[sflag:s30] =	ssyncset.done $0x0  }
0x25: {  	[sflag:s30] =	ssyncadd.s32 $0xFFFFC000  }
0x26: {  	_ =	swait.ge [sflag:s31], $0x4000  }
0x27: {  	s0 =	sadd.s32 $0x1, s0;
	s3 =	rddreg [dreg:$0x6]  }
0x28: {  	p1 =	sne.s32 s0, s3  }
.Ltmp1:
0x29: {  	_ = 	snop;
	(pc) =	sbr.rel @!p1 .LBB2_5-.Ltmp1, $3  }
0x2a: {  	_ =	sdelay $0x1  }
0x2b: {  	[sflag:s31] =	ssyncset.done $0x0  }
0x2c: {  	[sflag:s31] =	ssyncadd.s32 $0xFFFFC000  }
.LBB2_1:
0x2d: {  	s3 =	rddreg [dreg:$0x4]  }
0x2e: {  	s4 =	simm.s32 @!p0 $0x1C0B;
	s5 =	rddreg [dreg:$0xc]  }
0x2f: {  	[spmem:s5], [sflag:s4] =	dma.local @!p0 [hbm:s3], $0x1F40  }
0x30: {  	s4 =	simm.s32 @!p0 $0xB  }
0x31: {  	_ =	swait.ge @!p0 [sflag:s4], $0x1F40  }
0x32: {  	[sflag:s4] =	ssyncset.done @!p0 $0x0  }
0x33: {  	s12 =	rddreg [dreg:$0x5];
	[sflag:s4] =	ssyncadd.s32 @!p0 $0xFFFFE0C0  }
0x34: {  	[tilespmem:s2], [sflag:$0xB] =	stream.linear.gather [hbm4b:s12+s2], $0x6400, $0x38;
	[tilespmem:$0x1B3A0] =	vst v63  }
0x35: {  	_ =	swait.ge [sflag:s13], $0x6400  }
0x36: {  	[sflag:s13] =	ssyncset.done $0x0  }
0x37: {  	[sflag:s13] =	ssyncadd.s32 $0xFFFF9C00  }
0x38: {  	[bflag:$0x0] =	sbarrier.arrive $0xFFFF  }
0x39: {  	[tilespmem:s15], [sflag:$0x1] =	stream.indirect.gather [spmem:s1], $0x80, s2, s14, $0xb8;
	[tilespmem:$0x1B3A0] =	vst v63  }
0x3a: {  	s11 =	rddreg [dreg:$0xb]  }
0x3b: {  	s10 =	rddreg [dreg:$0xa]  }
0x3c: {  	s9 =	rddreg [dreg:$0x9]  }
0x3d: {  	[tilespmem:s16], [sflag:$0x2] =	stream.indirect.gather [spmem:s1], $0x80, s14, s14, $0xb8;
	[tilespmem:$0x1B3A0] =	vst v63  }
0x3e: {  	s17 =	simm.s32 $0x100;
	s18 =	simm.s32 $0xE400;
	s8 =	rddreg [dreg:$0x8]  }
0x3f: {  	[tilespmem:s18], [sflag:$0x3] =	stream.indirect.gather [spmem:s1], $0x80, s17, s14, $0xb8;
	[tilespmem:$0x1B3A0] =	vst v63  }
0x40: {  	s19 =	simm.s32 $0x180;
	s5 =	simm.s32 $0x0;
	s7 =	rddreg [dreg:$0x7]  }
0x41: {  	[tilespmem:s20], [sflag:$0x4] =	stream.indirect.gather [spmem:s1], $0x80, s19, s14, $0xb8;
	[tilespmem:$0x1B3A0] =	vst v63  }
.LBB2_2:
0x42: {  	_ =	swait.ge [sflag:s21], $0x4000  }
0x43: {  	p1 =	seq.s32 s5, $0x0;
	[sflag:s21] =	ssyncset.done $0x0  }
0x44: {  	s3 =	simm.s32 @!p1 $0xA;
	[sflag:s21] =	ssyncadd.s32 $0xFFFFC000  }
0x45: {  	[hbm4b:s10+s2] =	stream.linear.scatter [tilespmem:s15], [sflag:$0x6], $0x4000, $0x38;
	[tilespmem:$0x1B3A0] =	vst v63  }
0x46: {  	_ =	swait.ge @!p1 [sflag:s3], $0x4000  }
0x47: {  	s4 =	sshra.s32 s5, $0x2;
	[sflag:s3] =	ssyncset.done @!p1 $0x0  }
0x48: {  	s19 =	sadd.s32 $0x200, s4;
	[sflag:s3] =	ssyncadd.s32 @!p1 $0xFFFFC000  }
0x49: {  	[tilespmem:s22], [sflag:$0x5] =	stream.indirect.gather [spmem:s1], $0x80, s19, s14, $0xb8;
	[tilespmem:$0x1B3A0] =	vst v63  }
0x4a: {  	_ =	swait.ge [sflag:s23], $0x4000  }
0x4b: {  	p1 =	seq.s32 s5, $0x18600;
	[sflag:s23] =	ssyncset.done $0x0  }
0x4c: {  	s3 =	simm.s32 @p1 $0x3;
	[sflag:s23] =	ssyncadd.s32 $0xFFFFC000  }
0x4d: {  	[hbm4b:s9+s2] =	stream.linear.scatter [tilespmem:s16], [sflag:$0x7], $0x4000, $0x38;
	[tilespmem:$0x1B3A0] =	vst v63  }
0x4e: {  	_ =	swait.ge @p1 [sflag:s3], $0x4000  }
0x4f: {  	[sflag:s3] =	ssyncset.done @p1 $0x0  }
0x50: {  	s19 =	simm.s32 @p1 $0xE400;
	[sflag:s3] =	ssyncadd.s32 @p1 $0xFFFFC000;
	s3 =	simm.s32 @p1 $0x0  }
0x51: {  	[hbm4b:s6+s3] =	stream.linear.scatter @p1 [tilespmem:s19], [sflag:$0x8], $0x4000, $0x38;
	[tilespmem:$0x1B3A0] =	vst v63  }
0x52: {  	s3 =	simm.s32 @!p1 $0x6  }
0x53: {  	_ =	swait.ge @!p1 [sflag:s3], $0x4000  }
0x54: {  	[sflag:s3] =	ssyncset.done @!p1 $0x0  }
0x55: {  	[sflag:s3] =	ssyncadd.s32 @!p1 $0xFFFFC000;
	s3 =	sshra.s32 @!p1 s5, $0x2  }
0x56: {  	s18 =	simm.s32 @!p1 $0x80;
	s12 =	simm.s32 @!p1 $0x6400;
	s19 =	sadd.s32 @!p1 $0x280, s3  }
0x57: {  	[tilespmem:s12], [sflag:$0x1] =	stream.indirect.gather @!p1 [spmem:s1], $0x80, s19, s18, $0xb8;
	[tilespmem:$0x1B3A0] =	vst v63  }
0x58: {  	s12 =	simm.s32 @!p1 $0x3  }
0x59: {  	_ =	swait.ge @!p1 [sflag:s12], $0x4000  }
0x5a: {  	[sflag:s12] =	ssyncset.done @!p1 $0x0  }
0x5b: {  	s19 =	simm.s32 @!p1 $0xE400;
	[sflag:s12] =	ssyncadd.s32 @!p1 $0xFFFFC000;
	s12 =	simm.s32 @!p1 $0x0  }
0x5c: {  	[hbm4b:s8+s12] =	stream.linear.scatter @!p1 [tilespmem:s19], [sflag:$0x8], $0x4000, $0x38;
	[tilespmem:$0x1B3A0] =	vst v63  }
0x5d: {  	s12 =	simm.s32 @!p1 $0x7  }
0x5e: {  	_ =	swait.ge @!p1 [sflag:s12], $0x4000  }
0x5f: {  	[sflag:s12] =	ssyncset.done @!p1 $0x0  }
0x60: {  	s17 =	simm.s32 @!p1 $0xA400;
	[sflag:s12] =	ssyncadd.s32 @!p1 $0xFFFFC000;
	s12 =	sadd.s32 @!p1 $0x300, s3  }
0x61: {  	[tilespmem:s17], [sflag:$0x2] =	stream.indirect.gather @!p1 [spmem:s1], $0x80, s12, s18, $0xb8;
	[tilespmem:$0x1B3A0] =	vst v63  }
0x62: {  	_ =	swait.ge [sflag:s24], $0x4000  }
0x63: {  	[sflag:s24] =	ssyncset.done $0x0  }
0x64: {  	s12 =	simm.s32 @!p1 $0x8;
	[sflag:s24] =	ssyncadd.s32 $0xFFFFC000  }
0x65: {  	[hbm4b:s7+s2] =	stream.linear.scatter [tilespmem:s20], [sflag:$0x9], $0x4000, $0x38;
	[tilespmem:$0x1B3A0] =	vst v63  }
0x66: {  	_ =	swait.ge @!p1 [sflag:s12], $0x4000  }
0x67: {  	[sflag:s12] =	ssyncset.done @!p1 $0x0  }
0x68: {  	s3 =	sadd.s32 @!p1 $0x380, s3;
	[sflag:s12] =	ssyncadd.s32 @!p1 $0xFFFFC000  }
0x69: {  	[tilespmem:s19], [sflag:$0x3] =	stream.indirect.gather @!p1 [spmem:s1], $0x80, s3, s18, $0xb8;
	[tilespmem:$0x1B3A0] =	vst v63  }
.Ltmp2:
0x6a: {  	_ = 	snop;
	(pc) =	sbr.rel @p1 .LBB2_4-.Ltmp2, $4  }
0x6b: {  	_ =	swait.ge [sflag:s25], $0x4000  }
0x6c: {  	[sflag:s25] =	ssyncset.done $0x0  }
0x6d: {  	[sflag:s25] =	ssyncadd.s32 $0xFFFFC000  }
0x6e: {  	[hbm4b:s11+s2] =	stream.linear.scatter [tilespmem:s22], [sflag:$0xA], $0x4000, $0x38;
	[tilespmem:$0x1B3A0] =	vst v63  }
.Ltmp3:
0x6f: {  	_ =	swait.ge [sflag:s30], $0x4000;
	(pc) =	sbr.rel .LBB2_2-.Ltmp3, $4  }
0x70: {  	s3 =	sadd.s32 $0x400, s4;
	s5 =	sadd.s32 $0xA00, s5;
	s7 =	sadd.s32 $0x2800, s7  }
0x71: {  	s8 =	sadd.s32 $0x2800, s8;
	s9 =	sadd.s32 $0x2800, s9;
	[sflag:s30] =	ssyncset.done $0x0  }
0x72: {  	s10 =	sadd.s32 $0x2800, s10;
	s11 =	sadd.s32 $0x2800, s11;
	[sflag:s30] =	ssyncadd.s32 $0xFFFFC000  }
0x73: {  	[tilespmem:s20], [sflag:$0x4] =	stream.indirect.gather [spmem:s1], $0x80, s3, s14, $0xb8;
	[tilespmem:$0x1B3A0] =	vst v63  }
.LBB2_5:
0x74: {  	_ =	sfence.sel $0x180000  }
0x75: {  	[bflag:$0x0] =	sbarrier.arrive $0xFFFF  }
0x76: {  	_ =	strace $0x90000047  }
0x77: {  	[bflag:$0x2] =	sbarrier.arrive $0xFFFF  }
0x78: {  	s0 =	rddreg [dreg:$0x3]  }
0x79: {  	s0 =	sadd.s32 @!p0 $0x100000, s0  }
0x7a: {  	[sflag:s0] =	ssyncadd.tile.s32 @!p0 $0x1;
	_ =	shalt  }
.Lfunc_end2:
_tile_overlayer_lowered:
.L_overlay_start_2:
0x7b: {  	(tag) =	ssettag $0x2  }
0x7c: {  	s0 =	rddreg [dreg:$0x0];
	s2 =	stileid.u32  }
0x7d: {  	s1 =	rddreg [dreg:$0x1];
	p0 =	sne.s32 s2, $0x0  }
0x7e: {  	s3 =	rddreg [dreg:$0x2];
	[bflag:$0x3] =	sbarrier.arrive $0xFFFF;
	s2 =	simm.s32 @!p0 $0x1C0B  }
0x7f: {  	[timem:s3], [sflag:s2] =	dma.local @!p0 [hbm:s0], s1  }
0x80: {  	s0 =	simm.s32 @!p0 $0xB  }
0x81: {  	_ =	swait.ge @!p0 [sflag:s0], s1  }
0x82: {  	s1 =	ssub.s32 @!p0 $0x0, s1;
	[sflag:s0] =	ssyncset.done @!p0 $0x0  }
0x83: {  	[sflag:s0] =	ssyncadd.s32 @!p0 s1  }
0x84: {  	[bflag:$0x3] =	sbarrier.arrive $0xFFFF  }
0x85: {  	_ =	shalt  }

</sc_bundles>
